<compile_context>
chip_gen: v7x
topology: tpu7x:2x2x1
jax: 0.10.2.dev20260603
libtpu: 0.0.44.dev20260713+nightly
codegen_flags: <defaults>
</compile_context>

<pallas_src>
import functools

import jax
import jax.numpy as jnp
from jax import lax
from jax.experimental import pallas as pl
from jax.experimental.pallas import tpu as pltpu
from jax.experimental.pallas import tpu_sc as plsc

NC = 2
NS = 16
L = 16
NW = NC * NS

CHUNK = 128


def _sc_update_kernel(M, D, B):
  n_per_w = B // NW
  n_chunks = n_per_w // CHUNK
  n_groups = n_per_w // L
  mesh = plsc.VectorSubcoreMesh(
      core_axis_name="c", subcore_axis_name="s",
      num_cores=NC, num_subcores=NS)

  @functools.partial(
      pl.kernel,
      out_type=(),
      mesh=mesh,
      compiler_params=pltpu.CompilerParams(needs_layout_passes=False),
      scratch_types=(
          [pltpu.VMEM((CHUNK,), jnp.int32)] * n_chunks +
          [
              pltpu.VMEM((n_per_w, D), jnp.float32),
              pltpu.VMEM((n_per_w,), jnp.float32),
              pltpu.VMEM((n_per_w,), jnp.float32),
              pltpu.VMEM((D,), jnp.float32),
              pltpu.VMEM((L,), jnp.float32),
              pltpu.VMEM((L * L,), jnp.float32),
              pltpu.SemaphoreType.DMA,
          ]
      ),
  )
  def k(state_hbm, mem_hbm, ids_hbm, w_hbm, b_hbm, out_hbm, *scratch):
    idx_vs = scratch[:n_chunks]
    rows_v, sv, vals_v, wv, bv, part_v, sem = scratch[n_chunks:]
    wid = lax.axis_index("c") * NS + lax.axis_index("s")

    for j in range(n_chunks):
      pltpu.sync_copy(ids_hbm.at[wid * n_chunks + j], idx_vs[j])
    pltpu.sync_copy(w_hbm, wv)
    pltpu.sync_copy(b_hbm, bv)

    copies = []
    for j in range(n_chunks):
      copies.append(pltpu.async_copy(
          mem_hbm.at[idx_vs[j]], rows_v.at[pl.ds(j * CHUNK, CHUNK)], sem))
      copies.append(pltpu.async_copy(
          state_hbm.at[idx_vs[j]], sv.at[pl.ds(j * CHUNK, CHUNK)], sem))
    for c in copies:
      c.wait()

    w_chunks = [wv[pl.ds(c * L, L)] for c in range(D // L)]
    b_vec = bv[...]
    lane = lax.iota(jnp.int32, L)
    col_idx = [lane * L + j for j in range(L)]

    def group_body(g, _):
      base = g * L
      for i in range(L):
        p = rows_v[base + i, pl.ds(0, L)] * w_chunks[0]
        for c in range(1, D // L):
          p = p + rows_v[base + i, pl.ds(c * L, L)] * w_chunks[c]
        part_v[pl.ds(i * L, L)] = p
      acc = plsc.load_gather(part_v, [col_idx[0]])
      for j in range(1, L):
        acc = acc + plsc.load_gather(part_v, [col_idx[j]])
      s = sv[pl.ds(base, L)]
      x = acc + b_vec
      delta = 1.0 / (1.0 + jnp.exp(-x))
      alt = s + jnp.minimum(delta, 1.0 - s)
      vals_v[pl.ds(base, L)] = jnp.where(s > 0.0, delta, alt)
      return ()

    lax.fori_loop(0, n_groups, group_body, ())

    for j in range(n_chunks):
      pltpu.sync_copy(vals_v.at[pl.ds(j * CHUNK, CHUNK)],
                      out_hbm.at[idx_vs[j]])

  return k


@jax.jit
def kernel(state_table, memory_table, unique_node_ids, W, b):
  M = state_table.shape[0]
  B = unique_node_ids.shape[0]
  D = memory_table.shape[1]
  state_flat = state_table.reshape(M)
  ids2d = unique_node_ids.reshape(B // CHUNK, CHUNK)
  w_flat = W.reshape(D)
  b_vec = jnp.broadcast_to(b, (L,))
  out_ref = jax.new_ref(state_flat)
  _sc_update_kernel(M, D, B)(
      state_flat, memory_table, ids2d, w_flat, b_vec, out_ref)
  return out_ref[...].reshape(M, 1)

# --- scband reference (transcript-rebuilt; emitter-appended) ---
"""Pipeline reference for scband-state-updater-58995670778145 (READ-ONLY COPY).

The authoritative reference and input builder live on the scoring server;
editing this copy changes nothing except your own understanding.
"""

import jax, jax.numpy as jnp
import numpy as np

M, D, B = 100000, 128, 16384

def setup_inputs(seed: int = 0) -> dict:
    key = jax.random.key(seed)
    k1, k2, k3, k4 = jax.random.split(key, 4)
    state_table = jax.random.uniform(k1, (M, 1), dtype=jnp.float32)
    memory_table = jax.random.normal(k2, (M, D), dtype=jnp.float32)
    unique_node_ids = jax.random.randint(k3, (B,), 0, M, dtype=jnp.int32)
    W = jax.random.normal(k4, (1, D), dtype=jnp.float32) * (1.0 / np.sqrt(D))
    b = jnp.zeros((1,), dtype=jnp.float32)
    return {"state_table": state_table, "memory_table": memory_table, "unique_node_ids": unique_node_ids, "W": W, "b": b}

def reference(state_table, memory_table, unique_node_ids, W, b):
    # gather state/memory rows for the updated node ids
    state = jnp.take(state_table, unique_node_ids, axis=0)      # [B, 1]
    memory = jnp.take(memory_table, unique_node_ids, axis=0)    # [B, D]
    # new_state_delta = sigmoid(Linear(memory))
    new_state_delta = jax.nn.sigmoid(memory @ W.T + b)          # [B, 1]
    # BinaryLayer: hard threshold with straight-through estimator
    hard = (state > 0.0).astype(state.dtype)
    is_updated = state + jax.lax.stop_gradient(hard - state)
    new_state = is_updated * new_state_delta + (1.0 - is_updated) * (state + jnp.minimum(new_state_delta, 1.0 - state))
    # scatter-overwrite updated rows back into the state table
    updated_state_table = state_table.at[unique_node_ids].set(new_state)
    return updated_state_table

if __name__ == "__main__":
    import jax
    _d = setup_inputs()
    print(jax.jit(kernel)(*tuple(_d.values())))

</pallas_src>

<mosaic_0001>
#map = affine_map<(d0, d1) -> (0)>
#map1 = affine_map<(d0, d1) -> (0, 0)>
module attributes {stable_mosaic.version = 14 : i64} {
  func.func @new_body(%arg0: i32, %arg1: i32, %arg2: memref<100000xf32, #tpu.memory_space<hbm>>, %arg3: memref<100000x128xf32, #tpu.memory_space<hbm>>, %arg4: memref<128x128xi32, #tpu.memory_space<hbm>>, %arg5: memref<128xf32, #tpu.memory_space<hbm>>, %arg6: memref<16xf32, #tpu.memory_space<hbm>>, %arg7: memref<100000xf32, #tpu.memory_space<hbm>>, %arg8: memref<100000xf32, #tpu.memory_space<hbm>>, %arg9: memref<128xi32, #tpu.memory_space<vmem>>, %arg10: memref<128xi32, #tpu.memory_space<vmem>>, %arg11: memref<128xi32, #tpu.memory_space<vmem>>, %arg12: memref<128xi32, #tpu.memory_space<vmem>>, %arg13: memref<512x128xf32, #tpu.memory_space<vmem>>, %arg14: memref<512xf32, #tpu.memory_space<vmem>>, %arg15: memref<512xf32, #tpu.memory_space<vmem>>, %arg16: memref<128xf32, #tpu.memory_space<vmem>>, %arg17: memref<16xf32, #tpu.memory_space<vmem>>, %arg18: memref<256xf32, #tpu.memory_space<vmem>>, %arg19: memref<!tpu.dma_semaphore, #tpu.memory_space<semaphore_mem>>) attributes {dimension_semantics = [#tpu.dimension_semantics<core_parallel>, #tpu.dimension_semantics<subcore_parallel>], iteration_bounds = array<i64: 2, 16>, scalar_prefetch = 0 : i64, scratch_operands = 11 : i64, tpu.core_type = #tpu.core_type<sc_vector_subcore>, window_params = [{transform_indices = #map}, {transform_indices = #map1}, {transform_indices = #map1}, {transform_indices = #map}, {transform_indices = #map}, {transform_indices = #map}, {transform_indices = #map}]} {
    %mul3A = arith.constant 16 : i32
    %mul3A_0 = arith.muli %arg0, %mul3A : i32
    %add3A = arith.addi %mul3A_0, %arg1 : i32
    %mul3A_1 = arith.constant 4 : i32
    %mul3A_2 = arith.muli %add3A, %mul3A_1 : i32
    %add3A_3 = arith.constant 0 : i32
    %add3A_4 = arith.addi %mul3A_2, %add3A_3 : i32
    "tpu.region"() ({
      %run_scoped3A = tpu.sem_alloc : memref<!tpu.dma_semaphore, #tpu.memory_space<semaphore_mem>>
      %dma_start3A_212 = arith.constant 0 : i32
      %dma_start3A_213 = tpu.memref_slice %arg4[%add3A_4, %dma_start3A_212] : memref<128x128xi32, #tpu.memory_space<hbm>> -> memref<1x128xi32, #tpu.memory_space<hbm>>
      %dma_start3A_214 = tpu.memref_squeeze %dma_start3A_213 : memref<1x128xi32, #tpu.memory_space<hbm>> -> memref<128xi32, #tpu.memory_space<hbm>>
      %dma_start3A_215 = arith.constant 0 : i32
      %dma_start3A_216 = tpu.memref_slice %arg4[%add3A_4, %dma_start3A_215] : memref<128x128xi32, #tpu.memory_space<hbm>> -> memref<1x128xi32, #tpu.memory_space<hbm>>
      %dma_start3A_217 = tpu.memref_squeeze %dma_start3A_216 : memref<1x128xi32, #tpu.memory_space<hbm>> -> memref<128xi32, #tpu.memory_space<hbm>>
      tpu.enqueue_dma source(%dma_start3A_217 : memref<128xi32, #tpu.memory_space<hbm>>) target(%arg9 : memref<128xi32, #tpu.memory_space<vmem>>) target_semaphore(%run_scoped3A : memref<!tpu.dma_semaphore, #tpu.memory_space<semaphore_mem>>)
      %dma_wait3A_218 = arith.constant 0 : i32
      %dma_wait3A_219 = tpu.memref_slice %arg4[%add3A_4, %dma_wait3A_218] : memref<128x128xi32, #tpu.memory_space<hbm>> -> memref<1x128xi32, #tpu.memory_space<hbm>>
      %dma_wait3A_220 = tpu.memref_squeeze %dma_wait3A_219 : memref<1x128xi32, #tpu.memory_space<hbm>> -> memref<128xi32, #tpu.memory_space<hbm>>
      %dma_wait3A_221 = arith.constant 0 : i32
      %dma_wait3A_222 = tpu.memref_slice %arg4[%add3A_4, %dma_wait3A_221] : memref<128x128xi32, #tpu.memory_space<hbm>> -> memref<1x128xi32, #tpu.memory_space<hbm>>
      %dma_wait3A_223 = tpu.memref_squeeze %dma_wait3A_222 : memref<1x128xi32, #tpu.memory_space<hbm>> -> memref<128xi32, #tpu.memory_space<hbm>>
      tpu.wait_dma2 semaphore(%run_scoped3A : memref<!tpu.dma_semaphore, #tpu.memory_space<semaphore_mem>>) src(%dma_wait3A_223 : memref<128xi32, #tpu.memory_space<hbm>>) dst(%arg9 : memref<128xi32, #tpu.memory_space<vmem>>)
      tpu.yield
    }) : () -> ()
    %mul3A_5 = arith.constant 4 : i32
    %mul3A_6 = arith.muli %add3A, %mul3A_5 : i32
    %add3A_7 = arith.constant 1 : i32
    %add3A_8 = arith.addi %mul3A_6, %add3A_7 : i32
    "tpu.region"() ({
      %run_scoped3A = tpu.sem_alloc : memref<!tpu.dma_semaphore, #tpu.memory_space<semaphore_mem>>
      %dma_start3A_212 = arith.constant 0 : i32
      %dma_start3A_213 = tpu.memref_slice %arg4[%add3A_8, %dma_start3A_212] : memref<128x128xi32, #tpu.memory_space<hbm>> -> memref<1x128xi32, #tpu.memory_space<hbm>>
      %dma_start3A_214 = tpu.memref_squeeze %dma_start3A_213 : memref<1x128xi32, #tpu.memory_space<hbm>> -> memref<128xi32, #tpu.memory_space<hbm>>
      %dma_start3A_215 = arith.constant 0 : i32
      %dma_start3A_216 = tpu.memref_slice %arg4[%add3A_8, %dma_start3A_215] : memref<128x128xi32, #tpu.memory_space<hbm>> -> memref<1x128xi32, #tpu.memory_space<hbm>>
      %dma_start3A_217 = tpu.memref_squeeze %dma_start3A_216 : memref<1x128xi32, #tpu.memory_space<hbm>> -> memref<128xi32, #tpu.memory_space<hbm>>
      tpu.enqueue_dma source(%dma_start3A_217 : memref<128xi32, #tpu.memory_space<hbm>>) target(%arg10 : memref<128xi32, #tpu.memory_space<vmem>>) target_semaphore(%run_scoped3A : memref<!tpu.dma_semaphore, #tpu.memory_space<semaphore_mem>>)
      %dma_wait3A_218 = arith.constant 0 : i32
      %dma_wait3A_219 = tpu.memref_slice %arg4[%add3A_8, %dma_wait3A_218] : memref<128x128xi32, #tpu.memory_space<hbm>> -> memref<1x128xi32, #tpu.memory_space<hbm>>
      %dma_wait3A_220 = tpu.memref_squeeze %dma_wait3A_219 : memref<1x128xi32, #tpu.memory_space<hbm>> -> memref<128xi32, #tpu.memory_space<hbm>>
      %dma_wait3A_221 = arith.constant 0 : i32
      %dma_wait3A_222 = tpu.memref_slice %arg4[%add3A_8, %dma_wait3A_221] : memref<128x128xi32, #tpu.memory_space<hbm>> -> memref<1x128xi32, #tpu.memory_space<hbm>>
      %dma_wait3A_223 = tpu.memref_squeeze %dma_wait3A_222 : memref<1x128xi32, #tpu.memory_space<hbm>> -> memref<128xi32, #tpu.memory_space<hbm>>
      tpu.wait_dma2 semaphore(%run_scoped3A : memref<!tpu.dma_semaphore, #tpu.memory_space<semaphore_mem>>) src(%dma_wait3A_223 : memref<128xi32, #tpu.memory_space<hbm>>) dst(%arg10 : memref<128xi32, #tpu.memory_space<vmem>>)
      tpu.yield
    }) : () -> ()
    %mul3A_9 = arith.constant 4 : i32
    %mul3A_10 = arith.muli %add3A, %mul3A_9 : i32
    %add3A_11 = arith.constant 2 : i32
    %add3A_12 = arith.addi %mul3A_10, %add3A_11 : i32
    "tpu.region"() ({
      %run_scoped3A = tpu.sem_alloc : memref<!tpu.dma_semaphore, #tpu.memory_space<semaphore_mem>>
      %dma_start3A_212 = arith.constant 0 : i32
      %dma_start3A_213 = tpu.memref_slice %arg4[%add3A_12, %dma_start3A_212] : memref<128x128xi32, #tpu.memory_space<hbm>> -> memref<1x128xi32, #tpu.memory_space<hbm>>
      %dma_start3A_214 = tpu.memref_squeeze %dma_start3A_213 : memref<1x128xi32, #tpu.memory_space<hbm>> -> memref<128xi32, #tpu.memory_space<hbm>>
      %dma_start3A_215 = arith.constant 0 : i32
      %dma_start3A_216 = tpu.memref_slice %arg4[%add3A_12, %dma_start3A_215] : memref<128x128xi32, #tpu.memory_space<hbm>> -> memref<1x128xi32, #tpu.memory_space<hbm>>
      %dma_start3A_217 = tpu.memref_squeeze %dma_start3A_216 : memref<1x128xi32, #tpu.memory_space<hbm>> -> memref<128xi32, #tpu.memory_space<hbm>>
      tpu.enqueue_dma source(%dma_start3A_217 : memref<128xi32, #tpu.memory_space<hbm>>) target(%arg11 : memref<128xi32, #tpu.memory_space<vmem>>) target_semaphore(%run_scoped3A : memref<!tpu.dma_semaphore, #tpu.memory_space<semaphore_mem>>)
      %dma_wait3A_218 = arith.constant 0 : i32
      %dma_wait3A_219 = tpu.memref_slice %arg4[%add3A_12, %dma_wait3A_218] : memref<128x128xi32, #tpu.memory_space<hbm>> -> memref<1x128xi32, #tpu.memory_space<hbm>>
      %dma_wait3A_220 = tpu.memref_squeeze %dma_wait3A_219 : memref<1x128xi32, #tpu.memory_space<hbm>> -> memref<128xi32, #tpu.memory_space<hbm>>
      %dma_wait3A_221 = arith.constant 0 : i32
      %dma_wait3A_222 = tpu.memref_slice %arg4[%add3A_12, %dma_wait3A_221] : memref<128x128xi32, #tpu.memory_space<hbm>> -> memref<1x128xi32, #tpu.memory_space<hbm>>
      %dma_wait3A_223 = tpu.memref_squeeze %dma_wait3A_222 : memref<1x128xi32, #tpu.memory_space<hbm>> -> memref<128xi32, #tpu.memory_space<hbm>>
      tpu.wait_dma2 semaphore(%run_scoped3A : memref<!tpu.dma_semaphore, #tpu.memory_space<semaphore_mem>>) src(%dma_wait3A_223 : memref<128xi32, #tpu.memory_space<hbm>>) dst(%arg11 : memref<128xi32, #tpu.memory_space<vmem>>)
      tpu.yield
    }) : () -> ()
    %mul3A_13 = arith.constant 4 : i32
    %mul3A_14 = arith.muli %add3A, %mul3A_13 : i32
    %add3A_15 = arith.constant 3 : i32
    %add3A_16 = arith.addi %mul3A_14, %add3A_15 : i32
    "tpu.region"() ({
      %run_scoped3A = tpu.sem_alloc : memref<!tpu.dma_semaphore, #tpu.memory_space<semaphore_mem>>
      %dma_start3A_212 = arith.constant 0 : i32
      %dma_start3A_213 = tpu.memref_slice %arg4[%add3A_16, %dma_start3A_212] : memref<128x128xi32, #tpu.memory_space<hbm>> -> memref<1x128xi32, #tpu.memory_space<hbm>>
      %dma_start3A_214 = tpu.memref_squeeze %dma_start3A_213 : memref<1x128xi32, #tpu.memory_space<hbm>> -> memref<128xi32, #tpu.memory_space<hbm>>
      %dma_start3A_215 = arith.constant 0 : i32
      %dma_start3A_216 = tpu.memref_slice %arg4[%add3A_16, %dma_start3A_215] : memref<128x128xi32, #tpu.memory_space<hbm>> -> memref<1x128xi32, #tpu.memory_space<hbm>>
      %dma_start3A_217 = tpu.memref_squeeze %dma_start3A_216 : memref<1x128xi32, #tpu.memory_space<hbm>> -> memref<128xi32, #tpu.memory_space<hbm>>
      tpu.enqueue_dma source(%dma_start3A_217 : memref<128xi32, #tpu.memory_space<hbm>>) target(%arg12 : memref<128xi32, #tpu.memory_space<vmem>>) target_semaphore(%run_scoped3A : memref<!tpu.dma_semaphore, #tpu.memory_space<semaphore_mem>>)
      %dma_wait3A_218 = arith.constant 0 : i32
      %dma_wait3A_219 = tpu.memref_slice %arg4[%add3A_16, %dma_wait3A_218] : memref<128x128xi32, #tpu.memory_space<hbm>> -> memref<1x128xi32, #tpu.memory_space<hbm>>
      %dma_wait3A_220 = tpu.memref_squeeze %dma_wait3A_219 : memref<1x128xi32, #tpu.memory_space<hbm>> -> memref<128xi32, #tpu.memory_space<hbm>>
      %dma_wait3A_221 = arith.constant 0 : i32
      %dma_wait3A_222 = tpu.memref_slice %arg4[%add3A_16, %dma_wait3A_221] : memref<128x128xi32, #tpu.memory_space<hbm>> -> memref<1x128xi32, #tpu.memory_space<hbm>>
      %dma_wait3A_223 = tpu.memref_squeeze %dma_wait3A_222 : memref<1x128xi32, #tpu.memory_space<hbm>> -> memref<128xi32, #tpu.memory_space<hbm>>
      tpu.wait_dma2 semaphore(%run_scoped3A : memref<!tpu.dma_semaphore, #tpu.memory_space<semaphore_mem>>) src(%dma_wait3A_223 : memref<128xi32, #tpu.memory_space<hbm>>) dst(%arg12 : memref<128xi32, #tpu.memory_space<vmem>>)
      tpu.yield
    }) : () -> ()
    "tpu.region"() ({
      %run_scoped3A = tpu.sem_alloc : memref<!tpu.dma_semaphore, #tpu.memory_space<semaphore_mem>>
      tpu.enqueue_dma source(%arg5 : memref<128xf32, #tpu.memory_space<hbm>>) target(%arg16 : memref<128xf32, #tpu.memory_space<vmem>>) target_semaphore(%run_scoped3A : memref<!tpu.dma_semaphore, #tpu.memory_space<semaphore_mem>>)
      tpu.wait_dma2 semaphore(%run_scoped3A : memref<!tpu.dma_semaphore, #tpu.memory_space<semaphore_mem>>) src(%arg5 : memref<128xf32, #tpu.memory_space<hbm>>) dst(%arg16 : memref<128xf32, #tpu.memory_space<vmem>>)
      tpu.yield
    }) : () -> ()
    "tpu.region"() ({
      %run_scoped3A = tpu.sem_alloc : memref<!tpu.dma_semaphore, #tpu.memory_space<semaphore_mem>>
      tpu.enqueue_dma source(%arg6 : memref<16xf32, #tpu.memory_space<hbm>>) target(%arg17 : memref<16xf32, #tpu.memory_space<vmem>>) target_semaphore(%run_scoped3A : memref<!tpu.dma_semaphore, #tpu.memory_space<semaphore_mem>>)
      tpu.wait_dma2 semaphore(%run_scoped3A : memref<!tpu.dma_semaphore, #tpu.memory_space<semaphore_mem>>) src(%arg6 : memref<16xf32, #tpu.memory_space<hbm>>) dst(%arg17 : memref<16xf32, #tpu.memory_space<vmem>>)
      tpu.yield
    }) : () -> ()
    %dma_start3A = arith.constant 0 : i32
    %dma_start3A_17 = arith.constant 0 : i32
    %dma_start3A_18 = tpu.memref_slice %arg13[%dma_start3A, %dma_start3A_17] : memref<512x128xf32, #tpu.memory_space<vmem>> -> memref<128x128xf32, #tpu.memory_space<vmem>>
    %dma_start3A_19 = arith.constant 0 : i32
    %dma_start3A_20 = arith.constant 0 : i32
    %dma_start3A_21 = tpu.memref_slice %arg3[%dma_start3A_19, %dma_start3A_20] : memref<100000x128xf32, #tpu.memory_space<hbm>> -> memref<100000x128xf32, #tpu.memory_space<hbm>>
    tpu.enqueue_indirect_dma source(%dma_start3A_21 : memref<100000x128xf32, #tpu.memory_space<hbm>>) target(%dma_start3A_18 : memref<128x128xf32, #tpu.memory_space<vmem>>) offsets(%arg9 : memref<128xi32, #tpu.memory_space<vmem>>) semaphore(%arg19 : memref<!tpu.dma_semaphore, #tpu.memory_space<semaphore_mem>>)
    %dma_start3A_22 = arith.constant 0 : i32
    %dma_start3A_23 = tpu.memref_slice %arg14[%dma_start3A_22] : memref<512xf32, #tpu.memory_space<vmem>> -> memref<128xf32, #tpu.memory_space<vmem>>
    %dma_start3A_24 = arith.constant 0 : i32
    %dma_start3A_25 = tpu.memref_slice %arg2[%dma_start3A_24] : memref<100000xf32, #tpu.memory_space<hbm>> -> memref<100000xf32, #tpu.memory_space<hbm>>
    tpu.enqueue_indirect_dma source(%dma_start3A_25 : memref<100000xf32, #tpu.memory_space<hbm>>) target(%dma_start3A_23 : memref<128xf32, #tpu.memory_space<vmem>>) offsets(%arg9 : memref<128xi32, #tpu.memory_space<vmem>>) semaphore(%arg19 : memref<!tpu.dma_semaphore, #tpu.memory_space<semaphore_mem>>)
    %dma_start3A_26 = arith.constant 128 : i32
    %dma_start3A_27 = arith.constant 0 : i32
    %dma_start3A_28 = tpu.memref_slice %arg13[%dma_start3A_26, %dma_start3A_27] : memref<512x128xf32, #tpu.memory_space<vmem>> -> memref<128x128xf32, #tpu.memory_space<vmem>>
    %dma_start3A_29 = arith.constant 0 : i32
    %dma_start3A_30 = arith.constant 0 : i32
    %dma_start3A_31 = tpu.memref_slice %arg3[%dma_start3A_29, %dma_start3A_30] : memref<100000x128xf32, #tpu.memory_space<hbm>> -> memref<100000x128xf32, #tpu.memory_space<hbm>>
    tpu.enqueue_indirect_dma source(%dma_start3A_31 : memref<100000x128xf32, #tpu.memory_space<hbm>>) target(%dma_start3A_28 : memref<128x128xf32, #tpu.memory_space<vmem>>) offsets(%arg10 : memref<128xi32, #tpu.memory_space<vmem>>) semaphore(%arg19 : memref<!tpu.dma_semaphore, #tpu.memory_space<semaphore_mem>>)
    %dma_start3A_32 = arith.constant 128 : i32
    %dma_start3A_33 = tpu.memref_slice %arg14[%dma_start3A_32] : memref<512xf32, #tpu.memory_space<vmem>> -> memref<128xf32, #tpu.memory_space<vmem>>
    %dma_start3A_34 = arith.constant 0 : i32
    %dma_start3A_35 = tpu.memref_slice %arg2[%dma_start3A_34] : memref<100000xf32, #tpu.memory_space<hbm>> -> memref<100000xf32, #tpu.memory_space<hbm>>
    tpu.enqueue_indirect_dma source(%dma_start3A_35 : memref<100000xf32, #tpu.memory_space<hbm>>) target(%dma_start3A_33 : memref<128xf32, #tpu.memory_space<vmem>>) offsets(%arg10 : memref<128xi32, #tpu.memory_space<vmem>>) semaphore(%arg19 : memref<!tpu.dma_semaphore, #tpu.memory_space<semaphore_mem>>)
    %dma_start3A_36 = arith.constant 256 : i32
    %dma_start3A_37 = arith.constant 0 : i32
    %dma_start3A_38 = tpu.memref_slice %arg13[%dma_start3A_36, %dma_start3A_37] : memref<512x128xf32, #tpu.memory_space<vmem>> -> memref<128x128xf32, #tpu.memory_space<vmem>>
    %dma_start3A_39 = arith.constant 0 : i32
    %dma_start3A_40 = arith.constant 0 : i32
    %dma_start3A_41 = tpu.memref_slice %arg3[%dma_start3A_39, %dma_start3A_40] : memref<100000x128xf32, #tpu.memory_space<hbm>> -> memref<100000x128xf32, #tpu.memory_space<hbm>>
    tpu.enqueue_indirect_dma source(%dma_start3A_41 : memref<100000x128xf32, #tpu.memory_space<hbm>>) target(%dma_start3A_38 : memref<128x128xf32, #tpu.memory_space<vmem>>) offsets(%arg11 : memref<128xi32, #tpu.memory_space<vmem>>) semaphore(%arg19 : memref<!tpu.dma_semaphore, #tpu.memory_space<semaphore_mem>>)
    %dma_start3A_42 = arith.constant 256 : i32
    %dma_start3A_43 = tpu.memref_slice %arg14[%dma_start3A_42] : memref<512xf32, #tpu.memory_space<vmem>> -> memref<128xf32, #tpu.memory_space<vmem>>
    %dma_start3A_44 = arith.constant 0 : i32
    %dma_start3A_45 = tpu.memref_slice %arg2[%dma_start3A_44] : memref<100000xf32, #tpu.memory_space<hbm>> -> memref<100000xf32, #tpu.memory_space<hbm>>
    tpu.enqueue_indirect_dma source(%dma_start3A_45 : memref<100000xf32, #tpu.memory_space<hbm>>) target(%dma_start3A_43 : memref<128xf32, #tpu.memory_space<vmem>>) offsets(%arg11 : memref<128xi32, #tpu.memory_space<vmem>>) semaphore(%arg19 : memref<!tpu.dma_semaphore, #tpu.memory_space<semaphore_mem>>)
    %dma_start3A_46 = arith.constant 384 : i32
    %dma_start3A_47 = arith.constant 0 : i32
    %dma_start3A_48 = tpu.memref_slice %arg13[%dma_start3A_46, %dma_start3A_47] : memref<512x128xf32, #tpu.memory_space<vmem>> -> memref<128x128xf32, #tpu.memory_space<vmem>>
    %dma_start3A_49 = arith.constant 0 : i32
    %dma_start3A_50 = arith.constant 0 : i32
    %dma_start3A_51 = tpu.memref_slice %arg3[%dma_start3A_49, %dma_start3A_50] : memref<100000x128xf32, #tpu.memory_space<hbm>> -> memref<100000x128xf32, #tpu.memory_space<hbm>>
    tpu.enqueue_indirect_dma source(%dma_start3A_51 : memref<100000x128xf32, #tpu.memory_space<hbm>>) target(%dma_start3A_48 : memref<128x128xf32, #tpu.memory_space<vmem>>) offsets(%arg12 : memref<128xi32, #tpu.memory_space<vmem>>) semaphore(%arg19 : memref<!tpu.dma_semaphore, #tpu.memory_space<semaphore_mem>>)
    %dma_start3A_52 = arith.constant 384 : i32
    %dma_start3A_53 = tpu.memref_slice %arg14[%dma_start3A_52] : memref<512xf32, #tpu.memory_space<vmem>> -> memref<128xf32, #tpu.memory_space<vmem>>
    %dma_start3A_54 = arith.constant 0 : i32
    %dma_start3A_55 = tpu.memref_slice %arg2[%dma_start3A_54] : memref<100000xf32, #tpu.memory_space<hbm>> -> memref<100000xf32, #tpu.memory_space<hbm>>
    tpu.enqueue_indirect_dma source(%dma_start3A_55 : memref<100000xf32, #tpu.memory_space<hbm>>) target(%dma_start3A_53 : memref<128xf32, #tpu.memory_space<vmem>>) offsets(%arg12 : memref<128xi32, #tpu.memory_space<vmem>>) semaphore(%arg19 : memref<!tpu.dma_semaphore, #tpu.memory_space<semaphore_mem>>)
    %dma_wait3A = arith.constant 0 : i32
    %dma_wait3A_56 = arith.constant 0 : i32
    %dma_wait3A_57 = tpu.memref_slice %arg13[%dma_wait3A, %dma_wait3A_56] : memref<512x128xf32, #tpu.memory_space<vmem>> -> memref<128x128xf32, #tpu.memory_space<vmem>>
    %dma_wait3A_58 = arith.constant 0 : i32
    %dma_wait3A_59 = arith.constant 0 : i32
    %dma_wait3A_60 = tpu.memref_slice %arg3[%dma_wait3A_58, %dma_wait3A_59] : memref<100000x128xf32, #tpu.memory_space<hbm>> -> memref<100000x128xf32, #tpu.memory_space<hbm>>
    tpu.wait_indirect_dma semaphore(%arg19 : memref<!tpu.dma_semaphore, #tpu.memory_space<semaphore_mem>>) src(%dma_wait3A_60 : memref<100000x128xf32, #tpu.memory_space<hbm>>) dst(%dma_wait3A_57 : memref<128x128xf32, #tpu.memory_space<vmem>>)
    %dma_wait3A_61 = arith.constant 0 : i32
    %dma_wait3A_62 = tpu.memref_slice %arg14[%dma_wait3A_61] : memref<512xf32, #tpu.memory_space<vmem>> -> memref<128xf32, #tpu.memory_space<vmem>>
    %dma_wait3A_63 = arith.constant 0 : i32
    %dma_wait3A_64 = tpu.memref_slice %arg2[%dma_wait3A_63] : memref<100000xf32, #tpu.memory_space<hbm>> -> memref<100000xf32, #tpu.memory_space<hbm>>
    tpu.wait_indirect_dma semaphore(%arg19 : memref<!tpu.dma_semaphore, #tpu.memory_space<semaphore_mem>>) src(%dma_wait3A_64 : memref<100000xf32, #tpu.memory_space<hbm>>) dst(%dma_wait3A_62 : memref<128xf32, #tpu.memory_space<vmem>>)
    %dma_wait3A_65 = arith.constant 128 : i32
    %dma_wait3A_66 = arith.constant 0 : i32
    %dma_wait3A_67 = tpu.memref_slice %arg13[%dma_wait3A_65, %dma_wait3A_66] : memref<512x128xf32, #tpu.memory_space<vmem>> -> memref<128x128xf32, #tpu.memory_space<vmem>>
    %dma_wait3A_68 = arith.constant 0 : i32
    %dma_wait3A_69 = arith.constant 0 : i32
    %dma_wait3A_70 = tpu.memref_slice %arg3[%dma_wait3A_68, %dma_wait3A_69] : memref<100000x128xf32, #tpu.memory_space<hbm>> -> memref<100000x128xf32, #tpu.memory_space<hbm>>
    tpu.wait_indirect_dma semaphore(%arg19 : memref<!tpu.dma_semaphore, #tpu.memory_space<semaphore_mem>>) src(%dma_wait3A_70 : memref<100000x128xf32, #tpu.memory_space<hbm>>) dst(%dma_wait3A_67 : memref<128x128xf32, #tpu.memory_space<vmem>>)
    %dma_wait3A_71 = arith.constant 128 : i32
    %dma_wait3A_72 = tpu.memref_slice %arg14[%dma_wait3A_71] : memref<512xf32, #tpu.memory_space<vmem>> -> memref<128xf32, #tpu.memory_space<vmem>>
    %dma_wait3A_73 = arith.constant 0 : i32
    %dma_wait3A_74 = tpu.memref_slice %arg2[%dma_wait3A_73] : memref<100000xf32, #tpu.memory_space<hbm>> -> memref<100000xf32, #tpu.memory_space<hbm>>
    tpu.wait_indirect_dma semaphore(%arg19 : memref<!tpu.dma_semaphore, #tpu.memory_space<semaphore_mem>>) src(%dma_wait3A_74 : memref<100000xf32, #tpu.memory_space<hbm>>) dst(%dma_wait3A_72 : memref<128xf32, #tpu.memory_space<vmem>>)
    %dma_wait3A_75 = arith.constant 256 : i32
    %dma_wait3A_76 = arith.constant 0 : i32
    %dma_wait3A_77 = tpu.memref_slice %arg13[%dma_wait3A_75, %dma_wait3A_76] : memref<512x128xf32, #tpu.memory_space<vmem>> -> memref<128x128xf32, #tpu.memory_space<vmem>>
    %dma_wait3A_78 = arith.constant 0 : i32
    %dma_wait3A_79 = arith.constant 0 : i32
    %dma_wait3A_80 = tpu.memref_slice %arg3[%dma_wait3A_78, %dma_wait3A_79] : memref<100000x128xf32, #tpu.memory_space<hbm>> -> memref<100000x128xf32, #tpu.memory_space<hbm>>
    tpu.wait_indirect_dma semaphore(%arg19 : memref<!tpu.dma_semaphore, #tpu.memory_space<semaphore_mem>>) src(%dma_wait3A_80 : memref<100000x128xf32, #tpu.memory_space<hbm>>) dst(%dma_wait3A_77 : memref<128x128xf32, #tpu.memory_space<vmem>>)
    %dma_wait3A_81 = arith.constant 256 : i32
    %dma_wait3A_82 = tpu.memref_slice %arg14[%dma_wait3A_81] : memref<512xf32, #tpu.memory_space<vmem>> -> memref<128xf32, #tpu.memory_space<vmem>>
    %dma_wait3A_83 = arith.constant 0 : i32
    %dma_wait3A_84 = tpu.memref_slice %arg2[%dma_wait3A_83] : memref<100000xf32, #tpu.memory_space<hbm>> -> memref<100000xf32, #tpu.memory_space<hbm>>
    tpu.wait_indirect_dma semaphore(%arg19 : memref<!tpu.dma_semaphore, #tpu.memory_space<semaphore_mem>>) src(%dma_wait3A_84 : memref<100000xf32, #tpu.memory_space<hbm>>) dst(%dma_wait3A_82 : memref<128xf32, #tpu.memory_space<vmem>>)
    %dma_wait3A_85 = arith.constant 384 : i32
    %dma_wait3A_86 = arith.constant 0 : i32
    %dma_wait3A_87 = tpu.memref_slice %arg13[%dma_wait3A_85, %dma_wait3A_86] : memref<512x128xf32, #tpu.memory_space<vmem>> -> memref<128x128xf32, #tpu.memory_space<vmem>>
    %dma_wait3A_88 = arith.constant 0 : i32
    %dma_wait3A_89 = arith.constant 0 : i32
    %dma_wait3A_90 = tpu.memref_slice %arg3[%dma_wait3A_88, %dma_wait3A_89] : memref<100000x128xf32, #tpu.memory_space<hbm>> -> memref<100000x128xf32, #tpu.memory_space<hbm>>
    tpu.wait_indirect_dma semaphore(%arg19 : memref<!tpu.dma_semaphore, #tpu.memory_space<semaphore_mem>>) src(%dma_wait3A_90 : memref<100000x128xf32, #tpu.memory_space<hbm>>) dst(%dma_wait3A_87 : memref<128x128xf32, #tpu.memory_space<vmem>>)
    %dma_wait3A_91 = arith.constant 384 : i32
    %dma_wait3A_92 = tpu.memref_slice %arg14[%dma_wait3A_91] : memref<512xf32, #tpu.memory_space<vmem>> -> memref<128xf32, #tpu.memory_space<vmem>>
    %dma_wait3A_93 = arith.constant 0 : i32
    %dma_wait3A_94 = tpu.memref_slice %arg2[%dma_wait3A_93] : memref<100000xf32, #tpu.memory_space<hbm>> -> memref<100000xf32, #tpu.memory_space<hbm>>
    tpu.wait_indirect_dma semaphore(%arg19 : memref<!tpu.dma_semaphore, #tpu.memory_space<semaphore_mem>>) src(%dma_wait3A_94 : memref<100000xf32, #tpu.memory_space<hbm>>) dst(%dma_wait3A_92 : memref<128xf32, #tpu.memory_space<vmem>>)
    %get3A = arith.constant 0 : index
    %get3A_95 = tpu.vector_load %arg16[%get3A] {strides = array<i32>} : memref<128xf32, #tpu.memory_space<vmem>>, vector<16xf32>,
    %get3A_96 = arith.constant 16 : index
    %get3A_97 = tpu.vector_load %arg16[%get3A_96] {strides = array<i32>} : memref<128xf32, #tpu.memory_space<vmem>>, vector<16xf32>,
    %get3A_98 = arith.constant 32 : index
    %get3A_99 = tpu.vector_load %arg16[%get3A_98] {strides = array<i32>} : memref<128xf32, #tpu.memory_space<vmem>>, vector<16xf32>,
    %get3A_100 = arith.constant 48 : index
    %get3A_101 = tpu.vector_load %arg16[%get3A_100] {strides = array<i32>} : memref<128xf32, #tpu.memory_space<vmem>>, vector<16xf32>,
    %get3A_102 = arith.constant 64 : index
    %get3A_103 = tpu.vector_load %arg16[%get3A_102] {strides = array<i32>} : memref<128xf32, #tpu.memory_space<vmem>>, vector<16xf32>,
    %get3A_104 = arith.constant 80 : index
    %get3A_105 = tpu.vector_load %arg16[%get3A_104] {strides = array<i32>} : memref<128xf32, #tpu.memory_space<vmem>>, vector<16xf32>,
    %get3A_106 = arith.constant 96 : index
    %get3A_107 = tpu.vector_load %arg16[%get3A_106] {strides = array<i32>} : memref<128xf32, #tpu.memory_space<vmem>>, vector<16xf32>,
    %get3A_108 = arith.constant 112 : index
    %get3A_109 = tpu.vector_load %arg16[%get3A_108] {strides = array<i32>} : memref<128xf32, #tpu.memory_space<vmem>>, vector<16xf32>,
    %get3A_110 = arith.constant 0 : index
    %get3A_111 = tpu.vector_load %arg17[%get3A_110] {strides = array<i32>} : memref<16xf32, #tpu.memory_space<vmem>>, vector<16xf32>,
    %iota3A = tpu.iota {dimensions = array<i32: 0>} : vector<16xi32>
    %mul3A_112 = arith.constant 16 : i32
    %mul3A_113 = vector.broadcast %mul3A_112 : i32 to vector<16xi32>
    %mul3A_114 = arith.muli %iota3A, %mul3A_113 : vector<16xi32>
    %add3A_115 = arith.constant 0 : i32
    %add3A_116 = vector.broadcast %add3A_115 : i32 to vector<16xi32>
    %add3A_117 = arith.addi %mul3A_114, %add3A_116 : vector<16xi32>
    %mul3A_118 = arith.constant 16 : i32
    %mul3A_119 = vector.broadcast %mul3A_118 : i32 to vector<16xi32>
    %mul3A_120 = arith.muli %iota3A, %mul3A_119 : vector<16xi32>
    %add3A_121 = arith.constant 1 : i32
    %add3A_122 = vector.broadcast %add3A_121 : i32 to vector<16xi32>
    %add3A_123 = arith.addi %mul3A_120, %add3A_122 : vector<16xi32>
    %mul3A_124 = arith.constant 16 : i32
    %mul3A_125 = vector.broadcast %mul3A_124 : i32 to vector<16xi32>
    %mul3A_126 = arith.muli %iota3A, %mul3A_125 : vector<16xi32>
    %add3A_127 = arith.constant 2 : i32
    %add3A_128 = vector.broadcast %add3A_127 : i32 to vector<16xi32>
    %add3A_129 = arith.addi %mul3A_126, %add3A_128 : vector<16xi32>
    %mul3A_130 = arith.constant 16 : i32
    %mul3A_131 = vector.broadcast %mul3A_130 : i32 to vector<16xi32>
    %mul3A_132 = arith.muli %iota3A, %mul3A_131 : vector<16xi32>
    %add3A_133 = arith.constant 3 : i32
    %add3A_134 = vector.broadcast %add3A_133 : i32 to vector<16xi32>
    %add3A_135 = arith.addi %mul3A_132, %add3A_134 : vector<16xi32>
    %mul3A_136 = arith.constant 16 : i32
    %mul3A_137 = vector.broadcast %mul3A_136 : i32 to vector<16xi32>
    %mul3A_138 = arith.muli %iota3A, %mul3A_137 : vector<16xi32>
    %add3A_139 = arith.constant 4 : i32
    %add3A_140 = vector.broadcast %add3A_139 : i32 to vector<16xi32>
    %add3A_141 = arith.addi %mul3A_138, %add3A_140 : vector<16xi32>
    %mul3A_142 = arith.constant 16 : i32
    %mul3A_143 = vector.broadcast %mul3A_142 : i32 to vector<16xi32>
    %mul3A_144 = arith.muli %iota3A, %mul3A_143 : vector<16xi32>
    %add3A_145 = arith.constant 5 : i32
    %add3A_146 = vector.broadcast %add3A_145 : i32 to vector<16xi32>
    %add3A_147 = arith.addi %mul3A_144, %add3A_146 : vector<16xi32>
    %mul3A_148 = arith.constant 16 : i32
    %mul3A_149 = vector.broadcast %mul3A_148 : i32 to vector<16xi32>
    %mul3A_150 = arith.muli %iota3A, %mul3A_149 : vector<16xi32>
    %add3A_151 = arith.constant 6 : i32
    %add3A_152 = vector.broadcast %add3A_151 : i32 to vector<16xi32>
    %add3A_153 = arith.addi %mul3A_150, %add3A_152 : vector<16xi32>
    %mul3A_154 = arith.constant 16 : i32
    %mul3A_155 = vector.broadcast %mul3A_154 : i32 to vector<16xi32>
    %mul3A_156 = arith.muli %iota3A, %mul3A_155 : vector<16xi32>
    %add3A_157 = arith.constant 7 : i32
    %add3A_158 = vector.broadcast %add3A_157 : i32 to vector<16xi32>
    %add3A_159 = arith.addi %mul3A_156, %add3A_158 : vector<16xi32>
    %mul3A_160 = arith.constant 16 : i32
    %mul3A_161 = vector.broadcast %mul3A_160 : i32 to vector<16xi32>
    %mul3A_162 = arith.muli %iota3A, %mul3A_161 : vector<16xi32>
    %add3A_163 = arith.constant 8 : i32
    %add3A_164 = vector.broadcast %add3A_163 : i32 to vector<16xi32>
    %add3A_165 = arith.addi %mul3A_162, %add3A_164 : vector<16xi32>
    %mul3A_166 = arith.constant 16 : i32
    %mul3A_167 = vector.broadcast %mul3A_166 : i32 to vector<16xi32>
    %mul3A_168 = arith.muli %iota3A, %mul3A_167 : vector<16xi32>
    %add3A_169 = arith.constant 9 : i32
    %add3A_170 = vector.broadcast %add3A_169 : i32 to vector<16xi32>
    %add3A_171 = arith.addi %mul3A_168, %add3A_170 : vector<16xi32>
    %mul3A_172 = arith.constant 16 : i32
    %mul3A_173 = vector.broadcast %mul3A_172 : i32 to vector<16xi32>
    %mul3A_174 = arith.muli %iota3A, %mul3A_173 : vector<16xi32>
    %add3A_175 = arith.constant 10 : i32
    %add3A_176 = vector.broadcast %add3A_175 : i32 to vector<16xi32>
    %add3A_177 = arith.addi %mul3A_174, %add3A_176 : vector<16xi32>
    %mul3A_178 = arith.constant 16 : i32
    %mul3A_179 = vector.broadcast %mul3A_178 : i32 to vector<16xi32>
    %mul3A_180 = arith.muli %iota3A, %mul3A_179 : vector<16xi32>
    %add3A_181 = arith.constant 11 : i32
    %add3A_182 = vector.broadcast %add3A_181 : i32 to vector<16xi32>
    %add3A_183 = arith.addi %mul3A_180, %add3A_182 : vector<16xi32>
    %mul3A_184 = arith.constant 16 : i32
    %mul3A_185 = vector.broadcast %mul3A_184 : i32 to vector<16xi32>
    %mul3A_186 = arith.muli %iota3A, %mul3A_185 : vector<16xi32>
    %add3A_187 = arith.constant 12 : i32
    %add3A_188 = vector.broadcast %add3A_187 : i32 to vector<16xi32>
    %add3A_189 = arith.addi %mul3A_186, %add3A_188 : vector<16xi32>
    %mul3A_190 = arith.constant 16 : i32
    %mul3A_191 = vector.broadcast %mul3A_190 : i32 to vector<16xi32>
    %mul3A_192 = arith.muli %iota3A, %mul3A_191 : vector<16xi32>
    %add3A_193 = arith.constant 13 : i32
    %add3A_194 = vector.broadcast %add3A_193 : i32 to vector<16xi32>
    %add3A_195 = arith.addi %mul3A_192, %add3A_194 : vector<16xi32>
    %mul3A_196 = arith.constant 16 : i32
    %mul3A_197 = vector.broadcast %mul3A_196 : i32 to vector<16xi32>
    %mul3A_198 = arith.muli %iota3A, %mul3A_197 : vector<16xi32>
    %add3A_199 = arith.constant 14 : i32
    %add3A_200 = vector.broadcast %add3A_199 : i32 to vector<16xi32>
    %add3A_201 = arith.addi %mul3A_198, %add3A_200 : vector<16xi32>
    %mul3A_202 = arith.constant 16 : i32
    %mul3A_203 = vector.broadcast %mul3A_202 : i32 to vector<16xi32>
    %mul3A_204 = arith.muli %iota3A, %mul3A_203 : vector<16xi32>
    %add3A_205 = arith.constant 15 : i32
    %add3A_206 = vector.broadcast %add3A_205 : i32 to vector<16xi32>
    %add3A_207 = arith.addi %mul3A_204, %add3A_206 : vector<16xi32>
    %scan3A = arith.constant 0 : i32
    %scan3A_208 = arith.constant 32 : i32
    %scan3A_209 = arith.addi %scan3A, %scan3A_208 : i32
    %scan3A_210 = arith.constant 1 : i32
    scf.for %scan3A_212 = %scan3A to %scan3A_209 step %scan3A_210  : i32 {
      %mul3A_213 = arith.constant 16 : i32
      %mul3A_214 = arith.muli %scan3A_212, %mul3A_213 : i32
      %add3A_215 = arith.constant 0 : i32
      %add3A_216 = arith.addi %mul3A_214, %add3A_215 : i32
      %get3A_217 = arith.index_cast %add3A_216 : i32 to index
      %get3A_218 = arith.constant 0 : index
      %get3A_219 = tpu.vector_load %arg13[%get3A_217, %get3A_218] {strides = array<i32>} : memref<512x128xf32, #tpu.memory_space<vmem>>, vector<16xf32>,
      %mul3A_220 = arith.mulf %get3A_219, %get3A_95 : vector<16xf32>
      %add3A_221 = arith.constant 0 : i32
      %add3A_222 = arith.addi %mul3A_214, %add3A_221 : i32
      %get3A_223 = arith.index_cast %add3A_222 : i32 to index
      %get3A_224 = arith.constant 16 : index
      %get3A_225 = tpu.vector_load %arg13[%get3A_223, %get3A_224] {strides = array<i32>} : memref<512x128xf32, #tpu.memory_space<vmem>>, vector<16xf32>,
      %mul3A_226 = arith.mulf %get3A_225, %get3A_97 : vector<16xf32>
      %add3A_227 = arith.addf %mul3A_220, %mul3A_226 : vector<16xf32>
      %add3A_228 = arith.constant 0 : i32
      %add3A_229 = arith.addi %mul3A_214, %add3A_228 : i32
      %get3A_230 = arith.index_cast %add3A_229 : i32 to index
      %get3A_231 = arith.constant 32 : index
      %get3A_232 = tpu.vector_load %arg13[%get3A_230, %get3A_231] {strides = array<i32>} : memref<512x128xf32, #tpu.memory_space<vmem>>, vector<16xf32>,
      %mul3A_233 = arith.mulf %get3A_232, %get3A_99 : vector<16xf32>
      %add3A_234 = arith.addf %add3A_227, %mul3A_233 : vector<16xf32>
      %add3A_235 = arith.constant 0 : i32
      %add3A_236 = arith.addi %mul3A_214, %add3A_235 : i32
      %get3A_237 = arith.index_cast %add3A_236 : i32 to index
      %get3A_238 = arith.constant 48 : index
      %get3A_239 = tpu.vector_load %arg13[%get3A_237, %get3A_238] {strides = array<i32>} : memref<512x128xf32, #tpu.memory_space<vmem>>, vector<16xf32>,
      %mul3A_240 = arith.mulf %get3A_239, %get3A_101 : vector<16xf32>
      %add3A_241 = arith.addf %add3A_234, %mul3A_240 : vector<16xf32>
      %add3A_242 = arith.constant 0 : i32
      %add3A_243 = arith.addi %mul3A_214, %add3A_242 : i32
      %get3A_244 = arith.index_cast %add3A_243 : i32 to index
      %get3A_245 = arith.constant 64 : index
      %get3A_246 = tpu.vector_load %arg13[%get3A_244, %get3A_245] {strides = array<i32>} : memref<512x128xf32, #tpu.memory_space<vmem>>, vector<16xf32>,
      %mul3A_247 = arith.mulf %get3A_246, %get3A_103 : vector<16xf32>
      %add3A_248 = arith.addf %add3A_241, %mul3A_247 : vector<16xf32>
      %add3A_249 = arith.constant 0 : i32
      %add3A_250 = arith.addi %mul3A_214, %add3A_249 : i32
      %get3A_251 = arith.index_cast %add3A_250 : i32 to index
      %get3A_252 = arith.constant 80 : index
      %get3A_253 = tpu.vector_load %arg13[%get3A_251, %get3A_252] {strides = array<i32>} : memref<512x128xf32, #tpu.memory_space<vmem>>, vector<16xf32>,
      %mul3A_254 = arith.mulf %get3A_253, %get3A_105 : vector<16xf32>
      %add3A_255 = arith.addf %add3A_248, %mul3A_254 : vector<16xf32>
      %add3A_256 = arith.constant 0 : i32
      %add3A_257 = arith.addi %mul3A_214, %add3A_256 : i32
      %get3A_258 = arith.index_cast %add3A_257 : i32 to index
      %get3A_259 = arith.constant 96 : index
      %get3A_260 = tpu.vector_load %arg13[%get3A_258, %get3A_259] {strides = array<i32>} : memref<512x128xf32, #tpu.memory_space<vmem>>, vector<16xf32>,
      %mul3A_261 = arith.mulf %get3A_260, %get3A_107 : vector<16xf32>
      %add3A_262 = arith.addf %add3A_255, %mul3A_261 : vector<16xf32>
      %add3A_263 = arith.constant 0 : i32
      %add3A_264 = arith.addi %mul3A_214, %add3A_263 : i32
      %get3A_265 = arith.index_cast %add3A_264 : i32 to index
      %get3A_266 = arith.constant 112 : index
      %get3A_267 = tpu.vector_load %arg13[%get3A_265, %get3A_266] {strides = array<i32>} : memref<512x128xf32, #tpu.memory_space<vmem>>, vector<16xf32>,
      %mul3A_268 = arith.mulf %get3A_267, %get3A_109 : vector<16xf32>
      %add3A_269 = arith.addf %add3A_262, %mul3A_268 : vector<16xf32>
      %swap3A = arith.constant 0 : index
      %swap3A_270 = tpu.vector_load %arg18[%swap3A] {strides = array<i32>} : memref<256xf32, #tpu.memory_space<vmem>>, vector<16xf32>,
      tpu.vector_store %arg18[%swap3A], %add3A_269 {strides = array<i32>} : memref<256xf32, #tpu.memory_space<vmem>>, vector<16xf32>,
      %add3A_271 = arith.constant 1 : i32
      %add3A_272 = arith.addi %mul3A_214, %add3A_271 : i32
      %get3A_273 = arith.index_cast %add3A_272 : i32 to index
      %get3A_274 = arith.constant 0 : index
      %get3A_275 = tpu.vector_load %arg13[%get3A_273, %get3A_274] {strides = array<i32>} : memref<512x128xf32, #tpu.memory_space<vmem>>, vector<16xf32>,
      %mul3A_276 = arith.mulf %get3A_275, %get3A_95 : vector<16xf32>
      %add3A_277 = arith.constant 1 : i32
      %add3A_278 = arith.addi %mul3A_214, %add3A_277 : i32
      %get3A_279 = arith.index_cast %add3A_278 : i32 to index
      %get3A_280 = arith.constant 16 : index
      %get3A_281 = tpu.vector_load %arg13[%get3A_279, %get3A_280] {strides = array<i32>} : memref<512x128xf32, #tpu.memory_space<vmem>>, vector<16xf32>,
      %mul3A_282 = arith.mulf %get3A_281, %get3A_97 : vector<16xf32>
      %add3A_283 = arith.addf %mul3A_276, %mul3A_282 : vector<16xf32>
      %add3A_284 = arith.constant 1 : i32
      %add3A_285 = arith.addi %mul3A_214, %add3A_284 : i32
      %get3A_286 = arith.index_cast %add3A_285 : i32 to index
      %get3A_287 = arith.constant 32 : index
      %get3A_288 = tpu.vector_load %arg13[%get3A_286, %get3A_287] {strides = array<i32>} : memref<512x128xf32, #tpu.memory_space<vmem>>, vector<16xf32>,
      %mul3A_289 = arith.mulf %get3A_288, %get3A_99 : vector<16xf32>
      %add3A_290 = arith.addf %add3A_283, %mul3A_289 : vector<16xf32>
      %add3A_291 = arith.constant 1 : i32
      %add3A_292 = arith.addi %mul3A_214, %add3A_291 : i32
      %get3A_293 = arith.index_cast %add3A_292 : i32 to index
      %get3A_294 = arith.constant 48 : index
      %get3A_295 = tpu.vector_load %arg13[%get3A_293, %get3A_294] {strides = array<i32>} : memref<512x128xf32, #tpu.memory_space<vmem>>, vector<16xf32>,
      %mul3A_296 = arith.mulf %get3A_295, %get3A_101 : vector<16xf32>
      %add3A_297 = arith.addf %add3A_290, %mul3A_296 : vector<16xf32>
      %add3A_298 = arith.constant 1 : i32
      %add3A_299 = arith.addi %mul3A_214, %add3A_298 : i32
      %get3A_300 = arith.index_cast %add3A_299 : i32 to index
      %get3A_301 = arith.constant 64 : index
      %get3A_302 = tpu.vector_load %arg13[%get3A_300, %get3A_301] {strides = array<i32>} : memref<512x128xf32, #tpu.memory_space<vmem>>, vector<16xf32>,
      %mul3A_303 = arith.mulf %get3A_302, %get3A_103 : vector<16xf32>
      %add3A_304 = arith.addf %add3A_297, %mul3A_303 : vector<16xf32>
      %add3A_305 = arith.constant 1 : i32
      %add3A_306 = arith.addi %mul3A_214, %add3A_305 : i32
      %get3A_307 = arith.index_cast %add3A_306 : i32 to index
      %get3A_308 = arith.constant 80 : index
      %get3A_309 = tpu.vector_load %arg13[%get3A_307, %get3A_308] {strides = array<i32>} : memref<512x128xf32, #tpu.memory_space<vmem>>, vector<16xf32>,
      %mul3A_310 = arith.mulf %get3A_309, %get3A_105 : vector<16xf32>
      %add3A_311 = arith.addf %add3A_304, %mul3A_310 : vector<16xf32>
      %add3A_312 = arith.constant 1 : i32
      %add3A_313 = arith.addi %mul3A_214, %add3A_312 : i32
      %get3A_314 = arith.index_cast %add3A_313 : i32 to index
      %get3A_315 = arith.constant 96 : index
      %get3A_316 = tpu.vector_load %arg13[%get3A_314, %get3A_315] {strides = array<i32>} : memref<512x128xf32, #tpu.memory_space<vmem>>, vector<16xf32>,
      %mul3A_317 = arith.mulf %get3A_316, %get3A_107 : vector<16xf32>
      %add3A_318 = arith.addf %add3A_311, %mul3A_317 : vector<16xf32>
      %add3A_319 = arith.constant 1 : i32
      %add3A_320 = arith.addi %mul3A_214, %add3A_319 : i32
      %get3A_321 = arith.index_cast %add3A_320 : i32 to index
      %get3A_322 = arith.constant 112 : index
      %get3A_323 = tpu.vector_load %arg13[%get3A_321, %get3A_322] {strides = array<i32>} : memref<512x128xf32, #tpu.memory_space<vmem>>, vector<16xf32>,
      %mul3A_324 = arith.mulf %get3A_323, %get3A_109 : vector<16xf32>
      %add3A_325 = arith.addf %add3A_318, %mul3A_324 : vector<16xf32>
      %swap3A_326 = arith.constant 16 : index
      %swap3A_327 = tpu.vector_load %arg18[%swap3A_326] {strides = array<i32>} : memref<256xf32, #tpu.memory_space<vmem>>, vector<16xf32>,
      tpu.vector_store %arg18[%swap3A_326], %add3A_325 {strides = array<i32>} : memref<256xf32, #tpu.memory_space<vmem>>, vector<16xf32>,
      %add3A_328 = arith.constant 2 : i32
      %add3A_329 = arith.addi %mul3A_214, %add3A_328 : i32
      %get3A_330 = arith.index_cast %add3A_329 : i32 to index
      %get3A_331 = arith.constant 0 : index
      %get3A_332 = tpu.vector_load %arg13[%get3A_330, %get3A_331] {strides = array<i32>} : memref<512x128xf32, #tpu.memory_space<vmem>>, vector<16xf32>,
      %mul3A_333 = arith.mulf %get3A_332, %get3A_95 : vector<16xf32>
      %add3A_334 = arith.constant 2 : i32
      %add3A_335 = arith.addi %mul3A_214, %add3A_334 : i32
      %get3A_336 = arith.index_cast %add3A_335 : i32 to index
      %get3A_337 = arith.constant 16 : index
      %get3A_338 = tpu.vector_load %arg13[%get3A_336, %get3A_337] {strides = array<i32>} : memref<512x128xf32, #tpu.memory_space<vmem>>, vector<16xf32>,
      %mul3A_339 = arith.mulf %get3A_338, %get3A_97 : vector<16xf32>
      %add3A_340 = arith.addf %mul3A_333, %mul3A_339 : vector<16xf32>
      %add3A_341 = arith.constant 2 : i32
      %add3A_342 = arith.addi %mul3A_214, %add3A_341 : i32
      %get3A_343 = arith.index_cast %add3A_342 : i32 to index
      %get3A_344 = arith.constant 32 : index
      %get3A_345 = tpu.vector_load %arg13[%get3A_343, %get3A_344] {strides = array<i32>} : memref<512x128xf32, #tpu.memory_space<vmem>>, vector<16xf32>,
      %mul3A_346 = arith.mulf %get3A_345, %get3A_99 : vector<16xf32>
      %add3A_347 = arith.addf %add3A_340, %mul3A_346 : vector<16xf32>
      %add3A_348 = arith.constant 2 : i32
      %add3A_349 = arith.addi %mul3A_214, %add3A_348 : i32
      %get3A_350 = arith.index_cast %add3A_349 : i32 to index
      %get3A_351 = arith.constant 48 : index
      %get3A_352 = tpu.vector_load %arg13[%get3A_350, %get3A_351] {strides = array<i32>} : memref<512x128xf32, #tpu.memory_space<vmem>>, vector<16xf32>,
      %mul3A_353 = arith.mulf %get3A_352, %get3A_101 : vector<16xf32>
      %add3A_354 = arith.addf %add3A_347, %mul3A_353 : vector<16xf32>
      %add3A_355 = arith.constant 2 : i32
      %add3A_356 = arith.addi %mul3A_214, %add3A_355 : i32
      %get3A_357 = arith.index_cast %add3A_356 : i32 to index
      %get3A_358 = arith.constant 64 : index
      %get3A_359 = tpu.vector_load %arg13[%get3A_357, %get3A_358] {strides = array<i32>} : memref<512x128xf32, #tpu.memory_space<vmem>>, vector<16xf32>,
      %mul3A_360 = arith.mulf %get3A_359, %get3A_103 : vector<16xf32>
      %add3A_361 = arith.addf %add3A_354, %mul3A_360 : vector<16xf32>
      %add3A_362 = arith.constant 2 : i32
      %add3A_363 = arith.addi %mul3A_214, %add3A_362 : i32
      %get3A_364 = arith.index_cast %add3A_363 : i32 to index
      %get3A_365 = arith.constant 80 : index
      %get3A_366 = tpu.vector_load %arg13[%get3A_364, %get3A_365] {strides = array<i32>} : memref<512x128xf32, #tpu.memory_space<vmem>>, vector<16xf32>,
      %mul3A_367 = arith.mulf %get3A_366, %get3A_105 : vector<16xf32>
      %add3A_368 = arith.addf %add3A_361, %mul3A_367 : vector<16xf32>
      %add3A_369 = arith.constant 2 : i32
      %add3A_370 = arith.addi %mul3A_214, %add3A_369 : i32
      %get3A_371 = arith.index_cast %add3A_370 : i32 to index
      %get3A_372 = arith.constant 96 : index
      %get3A_373 = tpu.vector_load %arg13[%get3A_371, %get3A_372] {strides = array<i32>} : memref<512x128xf32, #tpu.memory_space<vmem>>, vector<16xf32>,
      %mul3A_374 = arith.mulf %get3A_373, %get3A_107 : vector<16xf32>
      %add3A_375 = arith.addf %add3A_368, %mul3A_374 : vector<16xf32>
      %add3A_376 = arith.constant 2 : i32
      %add3A_377 = arith.addi %mul3A_214, %add3A_376 : i32
      %get3A_378 = arith.index_cast %add3A_377 : i32 to index
      %get3A_379 = arith.constant 112 : index
      %get3A_380 = tpu.vector_load %arg13[%get3A_378, %get3A_379] {strides = array<i32>} : memref<512x128xf32, #tpu.memory_space<vmem>>, vector<16xf32>,
      %mul3A_381 = arith.mulf %get3A_380, %get3A_109 : vector<16xf32>
      %add3A_382 = arith.addf %add3A_375, %mul3A_381 : vector<16xf32>
      %swap3A_383 = arith.constant 32 : index
      %swap3A_384 = tpu.vector_load %arg18[%swap3A_383] {strides = array<i32>} : memref<256xf32, #tpu.memory_space<vmem>>, vector<16xf32>,
      tpu.vector_store %arg18[%swap3A_383], %add3A_382 {strides = array<i32>} : memref<256xf32, #tpu.memory_space<vmem>>, vector<16xf32>,
      %add3A_385 = arith.constant 3 : i32
      %add3A_386 = arith.addi %mul3A_214, %add3A_385 : i32
      %get3A_387 = arith.index_cast %add3A_386 : i32 to index
      %get3A_388 = arith.constant 0 : index
      %get3A_389 = tpu.vector_load %arg13[%get3A_387, %get3A_388] {strides = array<i32>} : memref<512x128xf32, #tpu.memory_space<vmem>>, vector<16xf32>,
      %mul3A_390 = arith.mulf %get3A_389, %get3A_95 : vector<16xf32>
      %add3A_391 = arith.constant 3 : i32
      %add3A_392 = arith.addi %mul3A_214, %add3A_391 : i32
      %get3A_393 = arith.index_cast %add3A_392 : i32 to index
      %get3A_394 = arith.constant 16 : index
      %get3A_395 = tpu.vector_load %arg13[%get3A_393, %get3A_394] {strides = array<i32>} : memref<512x128xf32, #tpu.memory_space<vmem>>, vector<16xf32>,
      %mul3A_396 = arith.mulf %get3A_395, %get3A_97 : vector<16xf32>
      %add3A_397 = arith.addf %mul3A_390, %mul3A_396 : vector<16xf32>
      %add3A_398 = arith.constant 3 : i32
      %add3A_399 = arith.addi %mul3A_214, %add3A_398 : i32
      %get3A_400 = arith.index_cast %add3A_399 : i32 to index
      %get3A_401 = arith.constant 32 : index
      %get3A_402 = tpu.vector_load %arg13[%get3A_400, %get3A_401] {strides = array<i32>} : memref<512x128xf32, #tpu.memory_space<vmem>>, vector<16xf32>,
      %mul3A_403 = arith.mulf %get3A_402, %get3A_99 : vector<16xf32>
      %add3A_404 = arith.addf %add3A_397, %mul3A_403 : vector<16xf32>
      %add3A_405 = arith.constant 3 : i32
      %add3A_406 = arith.addi %mul3A_214, %add3A_405 : i32
      %get3A_407 = arith.index_cast %add3A_406 : i32 to index
      %get3A_408 = arith.constant 48 : index
      %get3A_409 = tpu.vector_load %arg13[%get3A_407, %get3A_408] {strides = array<i32>} : memref<512x128xf32, #tpu.memory_space<vmem>>, vector<16xf32>,
      %mul3A_410 = arith.mulf %get3A_409, %get3A_101 : vector<16xf32>
      %add3A_411 = arith.addf %add3A_404, %mul3A_410 : vector<16xf32>
      %add3A_412 = arith.constant 3 : i32
      %add3A_413 = arith.addi %mul3A_214, %add3A_412 : i32
      %get3A_414 = arith.index_cast %add3A_413 : i32 to index
      %get3A_415 = arith.constant 64 : index
      %get3A_416 = tpu.vector_load %arg13[%get3A_414, %get3A_415] {strides = array<i32>} : memref<512x128xf32, #tpu.memory_space<vmem>>, vector<16xf32>,
      %mul3A_417 = arith.mulf %get3A_416, %get3A_103 : vector<16xf32>
      %add3A_418 = arith.addf %add3A_411, %mul3A_417 : vector<16xf32>
      %add3A_419 = arith.constant 3 : i32
      %add3A_420 = arith.addi %mul3A_214, %add3A_419 : i32
      %get3A_421 = arith.index_cast %add3A_420 : i32 to index
      %get3A_422 = arith.constant 80 : index
      %get3A_423 = tpu.vector_load %arg13[%get3A_421, %get3A_422] {strides = array<i32>} : memref<512x128xf32, #tpu.memory_space<vmem>>, vector<16xf32>,
      %mul3A_424 = arith.mulf %get3A_423, %get3A_105 : vector<16xf32>
      %add3A_425 = arith.addf %add3A_418, %mul3A_424 : vector<16xf32>
      %add3A_426 = arith.constant 3 : i32
      %add3A_427 = arith.addi %mul3A_214, %add3A_426 : i32
      %get3A_428 = arith.index_cast %add3A_427 : i32 to index
      %get3A_429 = arith.constant 96 : index
      %get3A_430 = tpu.vector_load %arg13[%get3A_428, %get3A_429] {strides = array<i32>} : memref<512x128xf32, #tpu.memory_space<vmem>>, vector<16xf32>,
      %mul3A_431 = arith.mulf %get3A_430, %get3A_107 : vector<16xf32>
      %add3A_432 = arith.addf %add3A_425, %mul3A_431 : vector<16xf32>
      %add3A_433 = arith.constant 3 : i32
      %add3A_434 = arith.addi %mul3A_214, %add3A_433 : i32
      %get3A_435 = arith.index_cast %add3A_434 : i32 to index
      %get3A_436 = arith.constant 112 : index
      %get3A_437 = tpu.vector_load %arg13[%get3A_435, %get3A_436] {strides = array<i32>} : memref<512x128xf32, #tpu.memory_space<vmem>>, vector<16xf32>,
      %mul3A_438 = arith.mulf %get3A_437, %get3A_109 : vector<16xf32>
      %add3A_439 = arith.addf %add3A_432, %mul3A_438 : vector<16xf32>
      %swap3A_440 = arith.constant 48 : index
      %swap3A_441 = tpu.vector_load %arg18[%swap3A_440] {strides = array<i32>} : memref<256xf32, #tpu.memory_space<vmem>>, vector<16xf32>,
      tpu.vector_store %arg18[%swap3A_440], %add3A_439 {strides = array<i32>} : memref<256xf32, #tpu.memory_space<vmem>>, vector<16xf32>,
      %add3A_442 = arith.constant 4 : i32
      %add3A_443 = arith.addi %mul3A_214, %add3A_442 : i32
      %get3A_444 = arith.index_cast %add3A_443 : i32 to index
      %get3A_445 = arith.constant 0 : index
      %get3A_446 = tpu.vector_load %arg13[%get3A_444, %get3A_445] {strides = array<i32>} : memref<512x128xf32, #tpu.memory_space<vmem>>, vector<16xf32>,
      %mul3A_447 = arith.mulf %get3A_446, %get3A_95 : vector<16xf32>
      %add3A_448 = arith.constant 4 : i32
      %add3A_449 = arith.addi %mul3A_214, %add3A_448 : i32
      %get3A_450 = arith.index_cast %add3A_449 : i32 to index
      %get3A_451 = arith.constant 16 : index
      %get3A_452 = tpu.vector_load %arg13[%get3A_450, %get3A_451] {strides = array<i32>} : memref<512x128xf32, #tpu.memory_space<vmem>>, vector<16xf32>,
      %mul3A_453 = arith.mulf %get3A_452, %get3A_97 : vector<16xf32>
      %add3A_454 = arith.addf %mul3A_447, %mul3A_453 : vector<16xf32>
      %add3A_455 = arith.constant 4 : i32
      %add3A_456 = arith.addi %mul3A_214, %add3A_455 : i32
      %get3A_457 = arith.index_cast %add3A_456 : i32 to index
      %get3A_458 = arith.constant 32 : index
      %get3A_459 = tpu.vector_load %arg13[%get3A_457, %get3A_458] {strides = array<i32>} : memref<512x128xf32, #tpu.memory_space<vmem>>, vector<16xf32>,
      %mul3A_460 = arith.mulf %get3A_459, %get3A_99 : vector<16xf32>
      %add3A_461 = arith.addf %add3A_454, %mul3A_460 : vector<16xf32>
      %add3A_462 = arith.constant 4 : i32
      %add3A_463 = arith.addi %mul3A_214, %add3A_462 : i32
      %get3A_464 = arith.index_cast %add3A_463 : i32 to index
      %get3A_465 = arith.constant 48 : index
      %get3A_466 = tpu.vector_load %arg13[%get3A_464, %get3A_465] {strides = array<i32>} : memref<512x128xf32, #tpu.memory_space<vmem>>, vector<16xf32>,
      %mul3A_467 = arith.mulf %get3A_466, %get3A_101 : vector<16xf32>
      %add3A_468 = arith.addf %add3A_461, %mul3A_467 : vector<16xf32>
      %add3A_469 = arith.constant 4 : i32
      %add3A_470 = arith.addi %mul3A_214, %add3A_469 : i32
      %get3A_471 = arith.index_cast %add3A_470 : i32 to index
      %get3A_472 = arith.constant 64 : index
      %get3A_473 = tpu.vector_load %arg13[%get3A_471, %get3A_472] {strides = array<i32>} : memref<512x128xf32, #tpu.memory_space<vmem>>, vector<16xf32>,
      %mul3A_474 = arith.mulf %get3A_473, %get3A_103 : vector<16xf32>
      %add3A_475 = arith.addf %add3A_468, %mul3A_474 : vector<16xf32>
      %add3A_476 = arith.constant 4 : i32
      %add3A_477 = arith.addi %mul3A_214, %add3A_476 : i32
      %get3A_478 = arith.index_cast %add3A_477 : i32 to index
      %get3A_479 = arith.constant 80 : index
      %get3A_480 = tpu.vector_load %arg13[%get3A_478, %get3A_479] {strides = array<i32>} : memref<512x128xf32, #tpu.memory_space<vmem>>, vector<16xf32>,
      %mul3A_481 = arith.mulf %get3A_480, %get3A_105 : vector<16xf32>
      %add3A_482 = arith.addf %add3A_475, %mul3A_481 : vector<16xf32>
      %add3A_483 = arith.constant 4 : i32
      %add3A_484 = arith.addi %mul3A_214, %add3A_483 : i32
      %get3A_485 = arith.index_cast %add3A_484 : i32 to index
      %get3A_486 = arith.constant 96 : index
      %get3A_487 = tpu.vector_load %arg13[%get3A_485, %get3A_486] {strides = array<i32>} : memref<512x128xf32, #tpu.memory_space<vmem>>, vector<16xf32>,
      %mul3A_488 = arith.mulf %get3A_487, %get3A_107 : vector<16xf32>
      %add3A_489 = arith.addf %add3A_482, %mul3A_488 : vector<16xf32>
      %add3A_490 = arith.constant 4 : i32
      %add3A_491 = arith.addi %mul3A_214, %add3A_490 : i32
      %get3A_492 = arith.index_cast %add3A_491 : i32 to index
      %get3A_493 = arith.constant 112 : index
      %get3A_494 = tpu.vector_load %arg13[%get3A_492, %get3A_493] {strides = array<i32>} : memref<512x128xf32, #tpu.memory_space<vmem>>, vector<16xf32>,
      %mul3A_495 = arith.mulf %get3A_494, %get3A_109 : vector<16xf32>
      %add3A_496 = arith.addf %add3A_489, %mul3A_495 : vector<16xf32>
      %swap3A_497 = arith.constant 64 : index
      %swap3A_498 = tpu.vector_load %arg18[%swap3A_497] {strides = array<i32>} : memref<256xf32, #tpu.memory_space<vmem>>, vector<16xf32>,
      tpu.vector_store %arg18[%swap3A_497], %add3A_496 {strides = array<i32>} : memref<256xf32, #tpu.memory_space<vmem>>, vector<16xf32>,
      %add3A_499 = arith.constant 5 : i32
      %add3A_500 = arith.addi %mul3A_214, %add3A_499 : i32
      %get3A_501 = arith.index_cast %add3A_500 : i32 to index
      %get3A_502 = arith.constant 0 : index
      %get3A_503 = tpu.vector_load %arg13[%get3A_501, %get3A_502] {strides = array<i32>} : memref<512x128xf32, #tpu.memory_space<vmem>>, vector<16xf32>,
      %mul3A_504 = arith.mulf %get3A_503, %get3A_95 : vector<16xf32>
      %add3A_505 = arith.constant 5 : i32
      %add3A_506 = arith.addi %mul3A_214, %add3A_505 : i32
      %get3A_507 = arith.index_cast %add3A_506 : i32 to index
      %get3A_508 = arith.constant 16 : index
      %get3A_509 = tpu.vector_load %arg13[%get3A_507, %get3A_508] {strides = array<i32>} : memref<512x128xf32, #tpu.memory_space<vmem>>, vector<16xf32>,
      %mul3A_510 = arith.mulf %get3A_509, %get3A_97 : vector<16xf32>
      %add3A_511 = arith.addf %mul3A_504, %mul3A_510 : vector<16xf32>
      %add3A_512 = arith.constant 5 : i32
      %add3A_513 = arith.addi %mul3A_214, %add3A_512 : i32
      %get3A_514 = arith.index_cast %add3A_513 : i32 to index
      %get3A_515 = arith.constant 32 : index
      %get3A_516 = tpu.vector_load %arg13[%get3A_514, %get3A_515] {strides = array<i32>} : memref<512x128xf32, #tpu.memory_space<vmem>>, vector<16xf32>,
      %mul3A_517 = arith.mulf %get3A_516, %get3A_99 : vector<16xf32>
      %add3A_518 = arith.addf %add3A_511, %mul3A_517 : vector<16xf32>
      %add3A_519 = arith.constant 5 : i32
      %add3A_520 = arith.addi %mul3A_214, %add3A_519 : i32
      %get3A_521 = arith.index_cast %add3A_520 : i32 to index
      %get3A_522 = arith.constant 48 : index
      %get3A_523 = tpu.vector_load %arg13[%get3A_521, %get3A_522] {strides = array<i32>} : memref<512x128xf32, #tpu.memory_space<vmem>>, vector<16xf32>,
      %mul3A_524 = arith.mulf %get3A_523, %get3A_101 : vector<16xf32>
      %add3A_525 = arith.addf %add3A_518, %mul3A_524 : vector<16xf32>
      %add3A_526 = arith.constant 5 : i32
      %add3A_527 = arith.addi %mul3A_214, %add3A_526 : i32
      %get3A_528 = arith.index_cast %add3A_527 : i32 to index
      %get3A_529 = arith.constant 64 : index
      %get3A_530 = tpu.vector_load %arg13[%get3A_528, %get3A_529] {strides = array<i32>} : memref<512x128xf32, #tpu.memory_space<vmem>>, vector<16xf32>,
      %mul3A_531 = arith.mulf %get3A_530, %get3A_103 : vector<16xf32>
      %add3A_532 = arith.addf %add3A_525, %mul3A_531 : vector<16xf32>
      %add3A_533 = arith.constant 5 : i32
      %add3A_534 = arith.addi %mul3A_214, %add3A_533 : i32
      %get3A_535 = arith.index_cast %add3A_534 : i32 to index
      %get3A_536 = arith.constant 80 : index
      %get3A_537 = tpu.vector_load %arg13[%get3A_535, %get3A_536] {strides = array<i32>} : memref<512x128xf32, #tpu.memory_space<vmem>>, vector<16xf32>,
      %mul3A_538 = arith.mulf %get3A_537, %get3A_105 : vector<16xf32>
      %add3A_539 = arith.addf %add3A_532, %mul3A_538 : vector<16xf32>
      %add3A_540 = arith.constant 5 : i32
      %add3A_541 = arith.addi %mul3A_214, %add3A_540 : i32
      %get3A_542 = arith.index_cast %add3A_541 : i32 to index
      %get3A_543 = arith.constant 96 : index
      %get3A_544 = tpu.vector_load %arg13[%get3A_542, %get3A_543] {strides = array<i32>} : memref<512x128xf32, #tpu.memory_space<vmem>>, vector<16xf32>,
      %mul3A_545 = arith.mulf %get3A_544, %get3A_107 : vector<16xf32>
      %add3A_546 = arith.addf %add3A_539, %mul3A_545 : vector<16xf32>
      %add3A_547 = arith.constant 5 : i32
      %add3A_548 = arith.addi %mul3A_214, %add3A_547 : i32
      %get3A_549 = arith.index_cast %add3A_548 : i32 to index
      %get3A_550 = arith.constant 112 : index
      %get3A_551 = tpu.vector_load %arg13[%get3A_549, %get3A_550] {strides = array<i32>} : memref<512x128xf32, #tpu.memory_space<vmem>>, vector<16xf32>,
      %mul3A_552 = arith.mulf %get3A_551, %get3A_109 : vector<16xf32>
      %add3A_553 = arith.addf %add3A_546, %mul3A_552 : vector<16xf32>
      %swap3A_554 = arith.constant 80 : index
      %swap3A_555 = tpu.vector_load %arg18[%swap3A_554] {strides = array<i32>} : memref<256xf32, #tpu.memory_space<vmem>>, vector<16xf32>,
      tpu.vector_store %arg18[%swap3A_554], %add3A_553 {strides = array<i32>} : memref<256xf32, #tpu.memory_space<vmem>>, vector<16xf32>,
      %add3A_556 = arith.constant 6 : i32
      %add3A_557 = arith.addi %mul3A_214, %add3A_556 : i32
      %get3A_558 = arith.index_cast %add3A_557 : i32 to index
      %get3A_559 = arith.constant 0 : index
      %get3A_560 = tpu.vector_load %arg13[%get3A_558, %get3A_559] {strides = array<i32>} : memref<512x128xf32, #tpu.memory_space<vmem>>, vector<16xf32>,
      %mul3A_561 = arith.mulf %get3A_560, %get3A_95 : vector<16xf32>
      %add3A_562 = arith.constant 6 : i32
      %add3A_563 = arith.addi %mul3A_214, %add3A_562 : i32
      %get3A_564 = arith.index_cast %add3A_563 : i32 to index
      %get3A_565 = arith.constant 16 : index
      %get3A_566 = tpu.vector_load %arg13[%get3A_564, %get3A_565] {strides = array<i32>} : memref<512x128xf32, #tpu.memory_space<vmem>>, vector<16xf32>,
      %mul3A_567 = arith.mulf %get3A_566, %get3A_97 : vector<16xf32>
      %add3A_568 = arith.addf %mul3A_561, %mul3A_567 : vector<16xf32>
      %add3A_569 = arith.constant 6 : i32
      %add3A_570 = arith.addi %mul3A_214, %add3A_569 : i32
      %get3A_571 = arith.index_cast %add3A_570 : i32 to index
      %get3A_572 = arith.constant 32 : index
      %get3A_573 = tpu.vector_load %arg13[%get3A_571, %get3A_572] {strides = array<i32>} : memref<512x128xf32, #tpu.memory_space<vmem>>, vector<16xf32>,
      %mul3A_574 = arith.mulf %get3A_573, %get3A_99 : vector<16xf32>
      %add3A_575 = arith.addf %add3A_568, %mul3A_574 : vector<16xf32>
      %add3A_576 = arith.constant 6 : i32
      %add3A_577 = arith.addi %mul3A_214, %add3A_576 : i32
      %get3A_578 = arith.index_cast %add3A_577 : i32 to index
      %get3A_579 = arith.constant 48 : index
      %get3A_580 = tpu.vector_load %arg13[%get3A_578, %get3A_579] {strides = array<i32>} : memref<512x128xf32, #tpu.memory_space<vmem>>, vector<16xf32>,
      %mul3A_581 = arith.mulf %get3A_580, %get3A_101 : vector<16xf32>
      %add3A_582 = arith.addf %add3A_575, %mul3A_581 : vector<16xf32>
      %add3A_583 = arith.constant 6 : i32
      %add3A_584 = arith.addi %mul3A_214, %add3A_583 : i32
      %get3A_585 = arith.index_cast %add3A_584 : i32 to index
      %get3A_586 = arith.constant 64 : index
      %get3A_587 = tpu.vector_load %arg13[%get3A_585, %get3A_586] {strides = array<i32>} : memref<512x128xf32, #tpu.memory_space<vmem>>, vector<16xf32>,
      %mul3A_588 = arith.mulf %get3A_587, %get3A_103 : vector<16xf32>
      %add3A_589 = arith.addf %add3A_582, %mul3A_588 : vector<16xf32>
      %add3A_590 = arith.constant 6 : i32
      %add3A_591 = arith.addi %mul3A_214, %add3A_590 : i32
      %get3A_592 = arith.index_cast %add3A_591 : i32 to index
      %get3A_593 = arith.constant 80 : index
      %get3A_594 = tpu.vector_load %arg13[%get3A_592, %get3A_593] {strides = array<i32>} : memref<512x128xf32, #tpu.memory_space<vmem>>, vector<16xf32>,
      %mul3A_595 = arith.mulf %get3A_594, %get3A_105 : vector<16xf32>
      %add3A_596 = arith.addf %add3A_589, %mul3A_595 : vector<16xf32>
      %add3A_597 = arith.constant 6 : i32
      %add3A_598 = arith.addi %mul3A_214, %add3A_597 : i32
      %get3A_599 = arith.index_cast %add3A_598 : i32 to index
      %get3A_600 = arith.constant 96 : index
      %get3A_601 = tpu.vector_load %arg13[%get3A_599, %get3A_600] {strides = array<i32>} : memref<512x128xf32, #tpu.memory_space<vmem>>, vector<16xf32>,
      %mul3A_602 = arith.mulf %get3A_601, %get3A_107 : vector<16xf32>
      %add3A_603 = arith.addf %add3A_596, %mul3A_602 : vector<16xf32>
      %add3A_604 = arith.constant 6 : i32
      %add3A_605 = arith.addi %mul3A_214, %add3A_604 : i32
      %get3A_606 = arith.index_cast %add3A_605 : i32 to index
      %get3A_607 = arith.constant 112 : index
      %get3A_608 = tpu.vector_load %arg13[%get3A_606, %get3A_607] {strides = array<i32>} : memref<512x128xf32, #tpu.memory_space<vmem>>, vector<16xf32>,
      %mul3A_609 = arith.mulf %get3A_608, %get3A_109 : vector<16xf32>
      %add3A_610 = arith.addf %add3A_603, %mul3A_609 : vector<16xf32>
      %swap3A_611 = arith.constant 96 : index
      %swap3A_612 = tpu.vector_load %arg18[%swap3A_611] {strides = array<i32>} : memref<256xf32, #tpu.memory_space<vmem>>, vector<16xf32>,
      tpu.vector_store %arg18[%swap3A_611], %add3A_610 {strides = array<i32>} : memref<256xf32, #tpu.memory_space<vmem>>, vector<16xf32>,
      %add3A_613 = arith.constant 7 : i32
      %add3A_614 = arith.addi %mul3A_214, %add3A_613 : i32
      %get3A_615 = arith.index_cast %add3A_614 : i32 to index
      %get3A_616 = arith.constant 0 : index
      %get3A_617 = tpu.vector_load %arg13[%get3A_615, %get3A_616] {strides = array<i32>} : memref<512x128xf32, #tpu.memory_space<vmem>>, vector<16xf32>,
      %mul3A_618 = arith.mulf %get3A_617, %get3A_95 : vector<16xf32>
      %add3A_619 = arith.constant 7 : i32
      %add3A_620 = arith.addi %mul3A_214, %add3A_619 : i32
      %get3A_621 = arith.index_cast %add3A_620 : i32 to index
      %get3A_622 = arith.constant 16 : index
      %get3A_623 = tpu.vector_load %arg13[%get3A_621, %get3A_622] {strides = array<i32>} : memref<512x128xf32, #tpu.memory_space<vmem>>, vector<16xf32>,
      %mul3A_624 = arith.mulf %get3A_623, %get3A_97 : vector<16xf32>
      %add3A_625 = arith.addf %mul3A_618, %mul3A_624 : vector<16xf32>
      %add3A_626 = arith.constant 7 : i32
      %add3A_627 = arith.addi %mul3A_214, %add3A_626 : i32
      %get3A_628 = arith.index_cast %add3A_627 : i32 to index
      %get3A_629 = arith.constant 32 : index
      %get3A_630 = tpu.vector_load %arg13[%get3A_628, %get3A_629] {strides = array<i32>} : memref<512x128xf32, #tpu.memory_space<vmem>>, vector<16xf32>,
      %mul3A_631 = arith.mulf %get3A_630, %get3A_99 : vector<16xf32>
      %add3A_632 = arith.addf %add3A_625, %mul3A_631 : vector<16xf32>
      %add3A_633 = arith.constant 7 : i32
      %add3A_634 = arith.addi %mul3A_214, %add3A_633 : i32
      %get3A_635 = arith.index_cast %add3A_634 : i32 to index
      %get3A_636 = arith.constant 48 : index
      %get3A_637 = tpu.vector_load %arg13[%get3A_635, %get3A_636] {strides = array<i32>} : memref<512x128xf32, #tpu.memory_space<vmem>>, vector<16xf32>,
      %mul3A_638 = arith.mulf %get3A_637, %get3A_101 : vector<16xf32>
      %add3A_639 = arith.addf %add3A_632, %mul3A_638 : vector<16xf32>
      %add3A_640 = arith.constant 7 : i32
      %add3A_641 = arith.addi %mul3A_214, %add3A_640 : i32
      %get3A_642 = arith.index_cast %add3A_641 : i32 to index
      %get3A_643 = arith.constant 64 : index
      %get3A_644 = tpu.vector_load %arg13[%get3A_642, %get3A_643] {strides = array<i32>} : memref<512x128xf32, #tpu.memory_space<vmem>>, vector<16xf32>,
      %mul3A_645 = arith.mulf %get3A_644, %get3A_103 : vector<16xf32>
      %add3A_646 = arith.addf %add3A_639, %mul3A_645 : vector<16xf32>
      %add3A_647 = arith.constant 7 : i32
      %add3A_648 = arith.addi %mul3A_214, %add3A_647 : i32
      %get3A_649 = arith.index_cast %add3A_648 : i32 to index
      %get3A_650 = arith.constant 80 : index
      %get3A_651 = tpu.vector_load %arg13[%get3A_649, %get3A_650] {strides = array<i32>} : memref<512x128xf32, #tpu.memory_space<vmem>>, vector<16xf32>,
      %mul3A_652 = arith.mulf %get3A_651, %get3A_105 : vector<16xf32>
      %add3A_653 = arith.addf %add3A_646, %mul3A_652 : vector<16xf32>
      %add3A_654 = arith.constant 7 : i32
      %add3A_655 = arith.addi %mul3A_214, %add3A_654 : i32
      %get3A_656 = arith.index_cast %add3A_655 : i32 to index
      %get3A_657 = arith.constant 96 : index
      %get3A_658 = tpu.vector_load %arg13[%get3A_656, %get3A_657] {strides = array<i32>} : memref<512x128xf32, #tpu.memory_space<vmem>>, vector<16xf32>,
      %mul3A_659 = arith.mulf %get3A_658, %get3A_107 : vector<16xf32>
      %add3A_660 = arith.addf %add3A_653, %mul3A_659 : vector<16xf32>
      %add3A_661 = arith.constant 7 : i32
      %add3A_662 = arith.addi %mul3A_214, %add3A_661 : i32
      %get3A_663 = arith.index_cast %add3A_662 : i32 to index
      %get3A_664 = arith.constant 112 : index
      %get3A_665 = tpu.vector_load %arg13[%get3A_663, %get3A_664] {strides = array<i32>} : memref<512x128xf32, #tpu.memory_space<vmem>>, vector<16xf32>,
      %mul3A_666 = arith.mulf %get3A_665, %get3A_109 : vector<16xf32>
      %add3A_667 = arith.addf %add3A_660, %mul3A_666 : vector<16xf32>
      %swap3A_668 = arith.constant 112 : index
      %swap3A_669 = tpu.vector_load %arg18[%swap3A_668] {strides = array<i32>} : memref<256xf32, #tpu.memory_space<vmem>>, vector<16xf32>,
      tpu.vector_store %arg18[%swap3A_668], %add3A_667 {strides = array<i32>} : memref<256xf32, #tpu.memory_space<vmem>>, vector<16xf32>,
      %add3A_670 = arith.constant 8 : i32
      %add3A_671 = arith.addi %mul3A_214, %add3A_670 : i32
      %get3A_672 = arith.index_cast %add3A_671 : i32 to index
      %get3A_673 = arith.constant 0 : index
      %get3A_674 = tpu.vector_load %arg13[%get3A_672, %get3A_673] {strides = array<i32>} : memref<512x128xf32, #tpu.memory_space<vmem>>, vector<16xf32>,
      %mul3A_675 = arith.mulf %get3A_674, %get3A_95 : vector<16xf32>
      %add3A_676 = arith.constant 8 : i32
      %add3A_677 = arith.addi %mul3A_214, %add3A_676 : i32
      %get3A_678 = arith.index_cast %add3A_677 : i32 to index
      %get3A_679 = arith.constant 16 : index
      %get3A_680 = tpu.vector_load %arg13[%get3A_678, %get3A_679] {strides = array<i32>} : memref<512x128xf32, #tpu.memory_space<vmem>>, vector<16xf32>,
      %mul3A_681 = arith.mulf %get3A_680, %get3A_97 : vector<16xf32>
      %add3A_682 = arith.addf %mul3A_675, %mul3A_681 : vector<16xf32>
      %add3A_683 = arith.constant 8 : i32
      %add3A_684 = arith.addi %mul3A_214, %add3A_683 : i32
      %get3A_685 = arith.index_cast %add3A_684 : i32 to index
      %get3A_686 = arith.constant 32 : index
      %get3A_687 = tpu.vector_load %arg13[%get3A_685, %get3A_686] {strides = array<i32>} : memref<512x128xf32, #tpu.memory_space<vmem>>, vector<16xf32>,
      %mul3A_688 = arith.mulf %get3A_687, %get3A_99 : vector<16xf32>
      %add3A_689 = arith.addf %add3A_682, %mul3A_688 : vector<16xf32>
      %add3A_690 = arith.constant 8 : i32
      %add3A_691 = arith.addi %mul3A_214, %add3A_690 : i32
      %get3A_692 = arith.index_cast %add3A_691 : i32 to index
      %get3A_693 = arith.constant 48 : index
      %get3A_694 = tpu.vector_load %arg13[%get3A_692, %get3A_693] {strides = array<i32>} : memref<512x128xf32, #tpu.memory_space<vmem>>, vector<16xf32>,
      %mul3A_695 = arith.mulf %get3A_694, %get3A_101 : vector<16xf32>
      %add3A_696 = arith.addf %add3A_689, %mul3A_695 : vector<16xf32>
      %add3A_697 = arith.constant 8 : i32
      %add3A_698 = arith.addi %mul3A_214, %add3A_697 : i32
      %get3A_699 = arith.index_cast %add3A_698 : i32 to index
      %get3A_700 = arith.constant 64 : index
      %get3A_701 = tpu.vector_load %arg13[%get3A_699, %get3A_700] {strides = array<i32>} : memref<512x128xf32, #tpu.memory_space<vmem>>, vector<16xf32>,
      %mul3A_702 = arith.mulf %get3A_701, %get3A_103 : vector<16xf32>
      %add3A_703 = arith.addf %add3A_696, %mul3A_702 : vector<16xf32>
      %add3A_704 = arith.constant 8 : i32
      %add3A_705 = arith.addi %mul3A_214, %add3A_704 : i32
      %get3A_706 = arith.index_cast %add3A_705 : i32 to index
      %get3A_707 = arith.constant 80 : index
      %get3A_708 = tpu.vector_load %arg13[%get3A_706, %get3A_707] {strides = array<i32>} : memref<512x128xf32, #tpu.memory_space<vmem>>, vector<16xf32>,
      %mul3A_709 = arith.mulf %get3A_708, %get3A_105 : vector<16xf32>
      %add3A_710 = arith.addf %add3A_703, %mul3A_709 : vector<16xf32>
      %add3A_711 = arith.constant 8 : i32
      %add3A_712 = arith.addi %mul3A_214, %add3A_711 : i32
      %get3A_713 = arith.index_cast %add3A_712 : i32 to index
      %get3A_714 = arith.constant 96 : index
      %get3A_715 = tpu.vector_load %arg13[%get3A_713, %get3A_714] {strides = array<i32>} : memref<512x128xf32, #tpu.memory_space<vmem>>, vector<16xf32>,
      %mul3A_716 = arith.mulf %get3A_715, %get3A_107 : vector<16xf32>
      %add3A_717 = arith.addf %add3A_710, %mul3A_716 : vector<16xf32>
      %add3A_718 = arith.constant 8 : i32
      %add3A_719 = arith.addi %mul3A_214, %add3A_718 : i32
      %get3A_720 = arith.index_cast %add3A_719 : i32 to index
      %get3A_721 = arith.constant 112 : index
      %get3A_722 = tpu.vector_load %arg13[%get3A_720, %get3A_721] {strides = array<i32>} : memref<512x128xf32, #tpu.memory_space<vmem>>, vector<16xf32>,
      %mul3A_723 = arith.mulf %get3A_722, %get3A_109 : vector<16xf32>
      %add3A_724 = arith.addf %add3A_717, %mul3A_723 : vector<16xf32>
      %swap3A_725 = arith.constant 128 : index
      %swap3A_726 = tpu.vector_load %arg18[%swap3A_725] {strides = array<i32>} : memref<256xf32, #tpu.memory_space<vmem>>, vector<16xf32>,
      tpu.vector_store %arg18[%swap3A_725], %add3A_724 {strides = array<i32>} : memref<256xf32, #tpu.memory_space<vmem>>, vector<16xf32>,
      %add3A_727 = arith.constant 9 : i32
      %add3A_728 = arith.addi %mul3A_214, %add3A_727 : i32
      %get3A_729 = arith.index_cast %add3A_728 : i32 to index
      %get3A_730 = arith.constant 0 : index
      %get3A_731 = tpu.vector_load %arg13[%get3A_729, %get3A_730] {strides = array<i32>} : memref<512x128xf32, #tpu.memory_space<vmem>>, vector<16xf32>,
      %mul3A_732 = arith.mulf %get3A_731, %get3A_95 : vector<16xf32>
      %add3A_733 = arith.constant 9 : i32
      %add3A_734 = arith.addi %mul3A_214, %add3A_733 : i32
      %get3A_735 = arith.index_cast %add3A_734 : i32 to index
      %get3A_736 = arith.constant 16 : index
      %get3A_737 = tpu.vector_load %arg13[%get3A_735, %get3A_736] {strides = array<i32>} : memref<512x128xf32, #tpu.memory_space<vmem>>, vector<16xf32>,
      %mul3A_738 = arith.mulf %get3A_737, %get3A_97 : vector<16xf32>
      %add3A_739 = arith.addf %mul3A_732, %mul3A_738 : vector<16xf32>
      %add3A_740 = arith.constant 9 : i32
      %add3A_741 = arith.addi %mul3A_214, %add3A_740 : i32
      %get3A_742 = arith.index_cast %add3A_741 : i32 to index
      %get3A_743 = arith.constant 32 : index
      %get3A_744 = tpu.vector_load %arg13[%get3A_742, %get3A_743] {strides = array<i32>} : memref<512x128xf32, #tpu.memory_space<vmem>>, vector<16xf32>,
      %mul3A_745 = arith.mulf %get3A_744, %get3A_99 : vector<16xf32>
      %add3A_746 = arith.addf %add3A_739, %mul3A_745 : vector<16xf32>
      %add3A_747 = arith.constant 9 : i32
      %add3A_748 = arith.addi %mul3A_214, %add3A_747 : i32
      %get3A_749 = arith.index_cast %add3A_748 : i32 to index
      %get3A_750 = arith.constant 48 : index
      %get3A_751 = tpu.vector_load %arg13[%get3A_749, %get3A_750] {strides = array<i32>} : memref<512x128xf32, #tpu.memory_space<vmem>>, vector<16xf32>,
      %mul3A_752 = arith.mulf %get3A_751, %get3A_101 : vector<16xf32>
      %add3A_753 = arith.addf %add3A_746, %mul3A_752 : vector<16xf32>
      %add3A_754 = arith.constant 9 : i32
      %add3A_755 = arith.addi %mul3A_214, %add3A_754 : i32
      %get3A_756 = arith.index_cast %add3A_755 : i32 to index
      %get3A_757 = arith.constant 64 : index
      %get3A_758 = tpu.vector_load %arg13[%get3A_756, %get3A_757] {strides = array<i32>} : memref<512x128xf32, #tpu.memory_space<vmem>>, vector<16xf32>,
      %mul3A_759 = arith.mulf %get3A_758, %get3A_103 : vector<16xf32>
      %add3A_760 = arith.addf %add3A_753, %mul3A_759 : vector<16xf32>
      %add3A_761 = arith.constant 9 : i32
      %add3A_762 = arith.addi %mul3A_214, %add3A_761 : i32
      %get3A_763 = arith.index_cast %add3A_762 : i32 to index
      %get3A_764 = arith.constant 80 : index
      %get3A_765 = tpu.vector_load %arg13[%get3A_763, %get3A_764] {strides = array<i32>} : memref<512x128xf32, #tpu.memory_space<vmem>>, vector<16xf32>,
      %mul3A_766 = arith.mulf %get3A_765, %get3A_105 : vector<16xf32>
      %add3A_767 = arith.addf %add3A_760, %mul3A_766 : vector<16xf32>
      %add3A_768 = arith.constant 9 : i32
      %add3A_769 = arith.addi %mul3A_214, %add3A_768 : i32
      %get3A_770 = arith.index_cast %add3A_769 : i32 to index
      %get3A_771 = arith.constant 96 : index
      %get3A_772 = tpu.vector_load %arg13[%get3A_770, %get3A_771] {strides = array<i32>} : memref<512x128xf32, #tpu.memory_space<vmem>>, vector<16xf32>,
      %mul3A_773 = arith.mulf %get3A_772, %get3A_107 : vector<16xf32>
      %add3A_774 = arith.addf %add3A_767, %mul3A_773 : vector<16xf32>
      %add3A_775 = arith.constant 9 : i32
      %add3A_776 = arith.addi %mul3A_214, %add3A_775 : i32
      %get3A_777 = arith.index_cast %add3A_776 : i32 to index
      %get3A_778 = arith.constant 112 : index
      %get3A_779 = tpu.vector_load %arg13[%get3A_777, %get3A_778] {strides = array<i32>} : memref<512x128xf32, #tpu.memory_space<vmem>>, vector<16xf32>,
      %mul3A_780 = arith.mulf %get3A_779, %get3A_109 : vector<16xf32>
      %add3A_781 = arith.addf %add3A_774, %mul3A_780 : vector<16xf32>
      %swap3A_782 = arith.constant 144 : index
      %swap3A_783 = tpu.vector_load %arg18[%swap3A_782] {strides = array<i32>} : memref<256xf32, #tpu.memory_space<vmem>>, vector<16xf32>,
      tpu.vector_store %arg18[%swap3A_782], %add3A_781 {strides = array<i32>} : memref<256xf32, #tpu.memory_space<vmem>>, vector<16xf32>,
      %add3A_784 = arith.constant 10 : i32
      %add3A_785 = arith.addi %mul3A_214, %add3A_784 : i32
      %get3A_786 = arith.index_cast %add3A_785 : i32 to index
      %get3A_787 = arith.constant 0 : index
      %get3A_788 = tpu.vector_load %arg13[%get3A_786, %get3A_787] {strides = array<i32>} : memref<512x128xf32, #tpu.memory_space<vmem>>, vector<16xf32>,
      %mul3A_789 = arith.mulf %get3A_788, %get3A_95 : vector<16xf32>
      %add3A_790 = arith.constant 10 : i32
      %add3A_791 = arith.addi %mul3A_214, %add3A_790 : i32
      %get3A_792 = arith.index_cast %add3A_791 : i32 to index
      %get3A_793 = arith.constant 16 : index
      %get3A_794 = tpu.vector_load %arg13[%get3A_792, %get3A_793] {strides = array<i32>} : memref<512x128xf32, #tpu.memory_space<vmem>>, vector<16xf32>,
      %mul3A_795 = arith.mulf %get3A_794, %get3A_97 : vector<16xf32>
      %add3A_796 = arith.addf %mul3A_789, %mul3A_795 : vector<16xf32>
      %add3A_797 = arith.constant 10 : i32
      %add3A_798 = arith.addi %mul3A_214, %add3A_797 : i32
      %get3A_799 = arith.index_cast %add3A_798 : i32 to index
      %get3A_800 = arith.constant 32 : index
      %get3A_801 = tpu.vector_load %arg13[%get3A_799, %get3A_800] {strides = array<i32>} : memref<512x128xf32, #tpu.memory_space<vmem>>, vector<16xf32>,
      %mul3A_802 = arith.mulf %get3A_801, %get3A_99 : vector<16xf32>
      %add3A_803 = arith.addf %add3A_796, %mul3A_802 : vector<16xf32>
      %add3A_804 = arith.constant 10 : i32
      %add3A_805 = arith.addi %mul3A_214, %add3A_804 : i32
      %get3A_806 = arith.index_cast %add3A_805 : i32 to index
      %get3A_807 = arith.constant 48 : index
      %get3A_808 = tpu.vector_load %arg13[%get3A_806, %get3A_807] {strides = array<i32>} : memref<512x128xf32, #tpu.memory_space<vmem>>, vector<16xf32>,
      %mul3A_809 = arith.mulf %get3A_808, %get3A_101 : vector<16xf32>
      %add3A_810 = arith.addf %add3A_803, %mul3A_809 : vector<16xf32>
      %add3A_811 = arith.constant 10 : i32
      %add3A_812 = arith.addi %mul3A_214, %add3A_811 : i32
      %get3A_813 = arith.index_cast %add3A_812 : i32 to index
      %get3A_814 = arith.constant 64 : index
      %get3A_815 = tpu.vector_load %arg13[%get3A_813, %get3A_814] {strides = array<i32>} : memref<512x128xf32, #tpu.memory_space<vmem>>, vector<16xf32>,
      %mul3A_816 = arith.mulf %get3A_815, %get3A_103 : vector<16xf32>
      %add3A_817 = arith.addf %add3A_810, %mul3A_816 : vector<16xf32>
      %add3A_818 = arith.constant 10 : i32
      %add3A_819 = arith.addi %mul3A_214, %add3A_818 : i32
      %get3A_820 = arith.index_cast %add3A_819 : i32 to index
      %get3A_821 = arith.constant 80 : index
      %get3A_822 = tpu.vector_load %arg13[%get3A_820, %get3A_821] {strides = array<i32>} : memref<512x128xf32, #tpu.memory_space<vmem>>, vector<16xf32>,
      %mul3A_823 = arith.mulf %get3A_822, %get3A_105 : vector<16xf32>
      %add3A_824 = arith.addf %add3A_817, %mul3A_823 : vector<16xf32>
      %add3A_825 = arith.constant 10 : i32
      %add3A_826 = arith.addi %mul3A_214, %add3A_825 : i32
      %get3A_827 = arith.index_cast %add3A_826 : i32 to index
      %get3A_828 = arith.constant 96 : index
      %get3A_829 = tpu.vector_load %arg13[%get3A_827, %get3A_828] {strides = array<i32>} : memref<512x128xf32, #tpu.memory_space<vmem>>, vector<16xf32>,
      %mul3A_830 = arith.mulf %get3A_829, %get3A_107 : vector<16xf32>
      %add3A_831 = arith.addf %add3A_824, %mul3A_830 : vector<16xf32>
      %add3A_832 = arith.constant 10 : i32
      %add3A_833 = arith.addi %mul3A_214, %add3A_832 : i32
      %get3A_834 = arith.index_cast %add3A_833 : i32 to index
      %get3A_835 = arith.constant 112 : index
      %get3A_836 = tpu.vector_load %arg13[%get3A_834, %get3A_835] {strides = array<i32>} : memref<512x128xf32, #tpu.memory_space<vmem>>, vector<16xf32>,
      %mul3A_837 = arith.mulf %get3A_836, %get3A_109 : vector<16xf32>
      %add3A_838 = arith.addf %add3A_831, %mul3A_837 : vector<16xf32>
      %swap3A_839 = arith.constant 160 : index
      %swap3A_840 = tpu.vector_load %arg18[%swap3A_839] {strides = array<i32>} : memref<256xf32, #tpu.memory_space<vmem>>, vector<16xf32>,
      tpu.vector_store %arg18[%swap3A_839], %add3A_838 {strides = array<i32>} : memref<256xf32, #tpu.memory_space<vmem>>, vector<16xf32>,
      %add3A_841 = arith.constant 11 : i32
      %add3A_842 = arith.addi %mul3A_214, %add3A_841 : i32
      %get3A_843 = arith.index_cast %add3A_842 : i32 to index
      %get3A_844 = arith.constant 0 : index
      %get3A_845 = tpu.vector_load %arg13[%get3A_843, %get3A_844] {strides = array<i32>} : memref<512x128xf32, #tpu.memory_space<vmem>>, vector<16xf32>,
      %mul3A_846 = arith.mulf %get3A_845, %get3A_95 : vector<16xf32>
      %add3A_847 = arith.constant 11 : i32
      %add3A_848 = arith.addi %mul3A_214, %add3A_847 : i32
      %get3A_849 = arith.index_cast %add3A_848 : i32 to index
      %get3A_850 = arith.constant 16 : index
      %get3A_851 = tpu.vector_load %arg13[%get3A_849, %get3A_850] {strides = array<i32>} : memref<512x128xf32, #tpu.memory_space<vmem>>, vector<16xf32>,
      %mul3A_852 = arith.mulf %get3A_851, %get3A_97 : vector<16xf32>
      %add3A_853 = arith.addf %mul3A_846, %mul3A_852 : vector<16xf32>
      %add3A_854 = arith.constant 11 : i32
      %add3A_855 = arith.addi %mul3A_214, %add3A_854 : i32
      %get3A_856 = arith.index_cast %add3A_855 : i32 to index
      %get3A_857 = arith.constant 32 : index
      %get3A_858 = tpu.vector_load %arg13[%get3A_856, %get3A_857] {strides = array<i32>} : memref<512x128xf32, #tpu.memory_space<vmem>>, vector<16xf32>,
      %mul3A_859 = arith.mulf %get3A_858, %get3A_99 : vector<16xf32>
      %add3A_860 = arith.addf %add3A_853, %mul3A_859 : vector<16xf32>
      %add3A_861 = arith.constant 11 : i32
      %add3A_862 = arith.addi %mul3A_214, %add3A_861 : i32
      %get3A_863 = arith.index_cast %add3A_862 : i32 to index
      %get3A_864 = arith.constant 48 : index
      %get3A_865 = tpu.vector_load %arg13[%get3A_863, %get3A_864] {strides = array<i32>} : memref<512x128xf32, #tpu.memory_space<vmem>>, vector<16xf32>,
      %mul3A_866 = arith.mulf %get3A_865, %get3A_101 : vector<16xf32>
      %add3A_867 = arith.addf %add3A_860, %mul3A_866 : vector<16xf32>
      %add3A_868 = arith.constant 11 : i32
      %add3A_869 = arith.addi %mul3A_214, %add3A_868 : i32
      %get3A_870 = arith.index_cast %add3A_869 : i32 to index
      %get3A_871 = arith.constant 64 : index
      %get3A_872 = tpu.vector_load %arg13[%get3A_870, %get3A_871] {strides = array<i32>} : memref<512x128xf32, #tpu.memory_space<vmem>>, vector<16xf32>,
      %mul3A_873 = arith.mulf %get3A_872, %get3A_103 : vector<16xf32>
      %add3A_874 = arith.addf %add3A_867, %mul3A_873 : vector<16xf32>
      %add3A_875 = arith.constant 11 : i32
      %add3A_876 = arith.addi %mul3A_214, %add3A_875 : i32
      %get3A_877 = arith.index_cast %add3A_876 : i32 to index
      %get3A_878 = arith.constant 80 : index
      %get3A_879 = tpu.vector_load %arg13[%get3A_877, %get3A_878] {strides = array<i32>} : memref<512x128xf32, #tpu.memory_space<vmem>>, vector<16xf32>,
      %mul3A_880 = arith.mulf %get3A_879, %get3A_105 : vector<16xf32>
      %add3A_881 = arith.addf %add3A_874, %mul3A_880 : vector<16xf32>
      %add3A_882 = arith.constant 11 : i32
      %add3A_883 = arith.addi %mul3A_214, %add3A_882 : i32
      %get3A_884 = arith.index_cast %add3A_883 : i32 to index
      %get3A_885 = arith.constant 96 : index
      %get3A_886 = tpu.vector_load %arg13[%get3A_884, %get3A_885] {strides = array<i32>} : memref<512x128xf32, #tpu.memory_space<vmem>>, vector<16xf32>,
      %mul3A_887 = arith.mulf %get3A_886, %get3A_107 : vector<16xf32>
      %add3A_888 = arith.addf %add3A_881, %mul3A_887 : vector<16xf32>
      %add3A_889 = arith.constant 11 : i32
      %add3A_890 = arith.addi %mul3A_214, %add3A_889 : i32
      %get3A_891 = arith.index_cast %add3A_890 : i32 to index
      %get3A_892 = arith.constant 112 : index
      %get3A_893 = tpu.vector_load %arg13[%get3A_891, %get3A_892] {strides = array<i32>} : memref<512x128xf32, #tpu.memory_space<vmem>>, vector<16xf32>,
      %mul3A_894 = arith.mulf %get3A_893, %get3A_109 : vector<16xf32>
      %add3A_895 = arith.addf %add3A_888, %mul3A_894 : vector<16xf32>
      %swap3A_896 = arith.constant 176 : index
      %swap3A_897 = tpu.vector_load %arg18[%swap3A_896] {strides = array<i32>} : memref<256xf32, #tpu.memory_space<vmem>>, vector<16xf32>,
      tpu.vector_store %arg18[%swap3A_896], %add3A_895 {strides = array<i32>} : memref<256xf32, #tpu.memory_space<vmem>>, vector<16xf32>,
      %add3A_898 = arith.constant 12 : i32
      %add3A_899 = arith.addi %mul3A_214, %add3A_898 : i32
      %get3A_900 = arith.index_cast %add3A_899 : i32 to index
      %get3A_901 = arith.constant 0 : index
      %get3A_902 = tpu.vector_load %arg13[%get3A_900, %get3A_901] {strides = array<i32>} : memref<512x128xf32, #tpu.memory_space<vmem>>, vector<16xf32>,
      %mul3A_903 = arith.mulf %get3A_902, %get3A_95 : vector<16xf32>
      %add3A_904 = arith.constant 12 : i32
      %add3A_905 = arith.addi %mul3A_214, %add3A_904 : i32
      %get3A_906 = arith.index_cast %add3A_905 : i32 to index
      %get3A_907 = arith.constant 16 : index
      %get3A_908 = tpu.vector_load %arg13[%get3A_906, %get3A_907] {strides = array<i32>} : memref<512x128xf32, #tpu.memory_space<vmem>>, vector<16xf32>,
      %mul3A_909 = arith.mulf %get3A_908, %get3A_97 : vector<16xf32>
      %add3A_910 = arith.addf %mul3A_903, %mul3A_909 : vector<16xf32>
      %add3A_911 = arith.constant 12 : i32
      %add3A_912 = arith.addi %mul3A_214, %add3A_911 : i32
      %get3A_913 = arith.index_cast %add3A_912 : i32 to index
      %get3A_914 = arith.constant 32 : index
      %get3A_915 = tpu.vector_load %arg13[%get3A_913, %get3A_914] {strides = array<i32>} : memref<512x128xf32, #tpu.memory_space<vmem>>, vector<16xf32>,
      %mul3A_916 = arith.mulf %get3A_915, %get3A_99 : vector<16xf32>
      %add3A_917 = arith.addf %add3A_910, %mul3A_916 : vector<16xf32>
      %add3A_918 = arith.constant 12 : i32
      %add3A_919 = arith.addi %mul3A_214, %add3A_918 : i32
      %get3A_920 = arith.index_cast %add3A_919 : i32 to index
      %get3A_921 = arith.constant 48 : index
      %get3A_922 = tpu.vector_load %arg13[%get3A_920, %get3A_921] {strides = array<i32>} : memref<512x128xf32, #tpu.memory_space<vmem>>, vector<16xf32>,
      %mul3A_923 = arith.mulf %get3A_922, %get3A_101 : vector<16xf32>
      %add3A_924 = arith.addf %add3A_917, %mul3A_923 : vector<16xf32>
      %add3A_925 = arith.constant 12 : i32
      %add3A_926 = arith.addi %mul3A_214, %add3A_925 : i32
      %get3A_927 = arith.index_cast %add3A_926 : i32 to index
      %get3A_928 = arith.constant 64 : index
      %get3A_929 = tpu.vector_load %arg13[%get3A_927, %get3A_928] {strides = array<i32>} : memref<512x128xf32, #tpu.memory_space<vmem>>, vector<16xf32>,
      %mul3A_930 = arith.mulf %get3A_929, %get3A_103 : vector<16xf32>
      %add3A_931 = arith.addf %add3A_924, %mul3A_930 : vector<16xf32>
      %add3A_932 = arith.constant 12 : i32
      %add3A_933 = arith.addi %mul3A_214, %add3A_932 : i32
      %get3A_934 = arith.index_cast %add3A_933 : i32 to index
      %get3A_935 = arith.constant 80 : index
      %get3A_936 = tpu.vector_load %arg13[%get3A_934, %get3A_935] {strides = array<i32>} : memref<512x128xf32, #tpu.memory_space<vmem>>, vector<16xf32>,
      %mul3A_937 = arith.mulf %get3A_936, %get3A_105 : vector<16xf32>
      %add3A_938 = arith.addf %add3A_931, %mul3A_937 : vector<16xf32>
      %add3A_939 = arith.constant 12 : i32
      %add3A_940 = arith.addi %mul3A_214, %add3A_939 : i32
      %get3A_941 = arith.index_cast %add3A_940 : i32 to index
      %get3A_942 = arith.constant 96 : index
      %get3A_943 = tpu.vector_load %arg13[%get3A_941, %get3A_942] {strides = array<i32>} : memref<512x128xf32, #tpu.memory_space<vmem>>, vector<16xf32>,
      %mul3A_944 = arith.mulf %get3A_943, %get3A_107 : vector<16xf32>
      %add3A_945 = arith.addf %add3A_938, %mul3A_944 : vector<16xf32>
      %add3A_946 = arith.constant 12 : i32
      %add3A_947 = arith.addi %mul3A_214, %add3A_946 : i32
      %get3A_948 = arith.index_cast %add3A_947 : i32 to index
      %get3A_949 = arith.constant 112 : index
      %get3A_950 = tpu.vector_load %arg13[%get3A_948, %get3A_949] {strides = array<i32>} : memref<512x128xf32, #tpu.memory_space<vmem>>, vector<16xf32>,
      %mul3A_951 = arith.mulf %get3A_950, %get3A_109 : vector<16xf32>
      %add3A_952 = arith.addf %add3A_945, %mul3A_951 : vector<16xf32>
      %swap3A_953 = arith.constant 192 : index
      %swap3A_954 = tpu.vector_load %arg18[%swap3A_953] {strides = array<i32>} : memref<256xf32, #tpu.memory_space<vmem>>, vector<16xf32>,
      tpu.vector_store %arg18[%swap3A_953], %add3A_952 {strides = array<i32>} : memref<256xf32, #tpu.memory_space<vmem>>, vector<16xf32>,
      %add3A_955 = arith.constant 13 : i32
      %add3A_956 = arith.addi %mul3A_214, %add3A_955 : i32
      %get3A_957 = arith.index_cast %add3A_956 : i32 to index
      %get3A_958 = arith.constant 0 : index
      %get3A_959 = tpu.vector_load %arg13[%get3A_957, %get3A_958] {strides = array<i32>} : memref<512x128xf32, #tpu.memory_space<vmem>>, vector<16xf32>,
      %mul3A_960 = arith.mulf %get3A_959, %get3A_95 : vector<16xf32>
      %add3A_961 = arith.constant 13 : i32
      %add3A_962 = arith.addi %mul3A_214, %add3A_961 : i32
      %get3A_963 = arith.index_cast %add3A_962 : i32 to index
      %get3A_964 = arith.constant 16 : index
      %get3A_965 = tpu.vector_load %arg13[%get3A_963, %get3A_964] {strides = array<i32>} : memref<512x128xf32, #tpu.memory_space<vmem>>, vector<16xf32>,
      %mul3A_966 = arith.mulf %get3A_965, %get3A_97 : vector<16xf32>
      %add3A_967 = arith.addf %mul3A_960, %mul3A_966 : vector<16xf32>
      %add3A_968 = arith.constant 13 : i32
      %add3A_969 = arith.addi %mul3A_214, %add3A_968 : i32
      %get3A_970 = arith.index_cast %add3A_969 : i32 to index
      %get3A_971 = arith.constant 32 : index
      %get3A_972 = tpu.vector_load %arg13[%get3A_970, %get3A_971] {strides = array<i32>} : memref<512x128xf32, #tpu.memory_space<vmem>>, vector<16xf32>,
      %mul3A_973 = arith.mulf %get3A_972, %get3A_99 : vector<16xf32>
      %add3A_974 = arith.addf %add3A_967, %mul3A_973 : vector<16xf32>
      %add3A_975 = arith.constant 13 : i32
      %add3A_976 = arith.addi %mul3A_214, %add3A_975 : i32
      %get3A_977 = arith.index_cast %add3A_976 : i32 to index
      %get3A_978 = arith.constant 48 : index
      %get3A_979 = tpu.vector_load %arg13[%get3A_977, %get3A_978] {strides = array<i32>} : memref<512x128xf32, #tpu.memory_space<vmem>>, vector<16xf32>,
      %mul3A_980 = arith.mulf %get3A_979, %get3A_101 : vector<16xf32>
      %add3A_981 = arith.addf %add3A_974, %mul3A_980 : vector<16xf32>
      %add3A_982 = arith.constant 13 : i32
      %add3A_983 = arith.addi %mul3A_214, %add3A_982 : i32
      %get3A_984 = arith.index_cast %add3A_983 : i32 to index
      %get3A_985 = arith.constant 64 : index
      %get3A_986 = tpu.vector_load %arg13[%get3A_984, %get3A_985] {strides = array<i32>} : memref<512x128xf32, #tpu.memory_space<vmem>>, vector<16xf32>,
      %mul3A_987 = arith.mulf %get3A_986, %get3A_103 : vector<16xf32>
      %add3A_988 = arith.addf %add3A_981, %mul3A_987 : vector<16xf32>
      %add3A_989 = arith.constant 13 : i32
      %add3A_990 = arith.addi %mul3A_214, %add3A_989 : i32
      %get3A_991 = arith.index_cast %add3A_990 : i32 to index
      %get3A_992 = arith.constant 80 : index
      %get3A_993 = tpu.vector_load %arg13[%get3A_991, %get3A_992] {strides = array<i32>} : memref<512x128xf32, #tpu.memory_space<vmem>>, vector<16xf32>,
      %mul3A_994 = arith.mulf %get3A_993, %get3A_105 : vector<16xf32>
      %add3A_995 = arith.addf %add3A_988, %mul3A_994 : vector<16xf32>
      %add3A_996 = arith.constant 13 : i32
      %add3A_997 = arith.addi %mul3A_214, %add3A_996 : i32
      %get3A_998 = arith.index_cast %add3A_997 : i32 to index
      %get3A_999 = arith.constant 96 : index
      %get3A_1000 = tpu.vector_load %arg13[%get3A_998, %get3A_999] {strides = array<i32>} : memref<512x128xf32, #tpu.memory_space<vmem>>, vector<16xf32>,
      %mul3A_1001 = arith.mulf %get3A_1000, %get3A_107 : vector<16xf32>
      %add3A_1002 = arith.addf %add3A_995, %mul3A_1001 : vector<16xf32>
      %add3A_1003 = arith.constant 13 : i32
      %add3A_1004 = arith.addi %mul3A_214, %add3A_1003 : i32
      %get3A_1005 = arith.index_cast %add3A_1004 : i32 to index
      %get3A_1006 = arith.constant 112 : index
      %get3A_1007 = tpu.vector_load %arg13[%get3A_1005, %get3A_1006] {strides = array<i32>} : memref<512x128xf32, #tpu.memory_space<vmem>>, vector<16xf32>,
      %mul3A_1008 = arith.mulf %get3A_1007, %get3A_109 : vector<16xf32>
      %add3A_1009 = arith.addf %add3A_1002, %mul3A_1008 : vector<16xf32>
      %swap3A_1010 = arith.constant 208 : index
      %swap3A_1011 = tpu.vector_load %arg18[%swap3A_1010] {strides = array<i32>} : memref<256xf32, #tpu.memory_space<vmem>>, vector<16xf32>,
      tpu.vector_store %arg18[%swap3A_1010], %add3A_1009 {strides = array<i32>} : memref<256xf32, #tpu.memory_space<vmem>>, vector<16xf32>,
      %add3A_1012 = arith.constant 14 : i32
      %add3A_1013 = arith.addi %mul3A_214, %add3A_1012 : i32
      %get3A_1014 = arith.index_cast %add3A_1013 : i32 to index
      %get3A_1015 = arith.constant 0 : index
      %get3A_1016 = tpu.vector_load %arg13[%get3A_1014, %get3A_1015] {strides = array<i32>} : memref<512x128xf32, #tpu.memory_space<vmem>>, vector<16xf32>,
      %mul3A_1017 = arith.mulf %get3A_1016, %get3A_95 : vector<16xf32>
      %add3A_1018 = arith.constant 14 : i32
      %add3A_1019 = arith.addi %mul3A_214, %add3A_1018 : i32
      %get3A_1020 = arith.index_cast %add3A_1019 : i32 to index
      %get3A_1021 = arith.constant 16 : index
      %get3A_1022 = tpu.vector_load %arg13[%get3A_1020, %get3A_1021] {strides = array<i32>} : memref<512x128xf32, #tpu.memory_space<vmem>>, vector<16xf32>,
      %mul3A_1023 = arith.mulf %get3A_1022, %get3A_97 : vector<16xf32>
      %add3A_1024 = arith.addf %mul3A_1017, %mul3A_1023 : vector<16xf32>
      %add3A_1025 = arith.constant 14 : i32
      %add3A_1026 = arith.addi %mul3A_214, %add3A_1025 : i32
      %get3A_1027 = arith.index_cast %add3A_1026 : i32 to index
      %get3A_1028 = arith.constant 32 : index
      %get3A_1029 = tpu.vector_load %arg13[%get3A_1027, %get3A_1028] {strides = array<i32>} : memref<512x128xf32, #tpu.memory_space<vmem>>, vector<16xf32>,
      %mul3A_1030 = arith.mulf %get3A_1029, %get3A_99 : vector<16xf32>
      %add3A_1031 = arith.addf %add3A_1024, %mul3A_1030 : vector<16xf32>
      %add3A_1032 = arith.constant 14 : i32
      %add3A_1033 = arith.addi %mul3A_214, %add3A_1032 : i32
      %get3A_1034 = arith.index_cast %add3A_1033 : i32 to index
      %get3A_1035 = arith.constant 48 : index
      %get3A_1036 = tpu.vector_load %arg13[%get3A_1034, %get3A_1035] {strides = array<i32>} : memref<512x128xf32, #tpu.memory_space<vmem>>, vector<16xf32>,
      %mul3A_1037 = arith.mulf %get3A_1036, %get3A_101 : vector<16xf32>
      %add3A_1038 = arith.addf %add3A_1031, %mul3A_1037 : vector<16xf32>
      %add3A_1039 = arith.constant 14 : i32
      %add3A_1040 = arith.addi %mul3A_214, %add3A_1039 : i32
      %get3A_1041 = arith.index_cast %add3A_1040 : i32 to index
      %get3A_1042 = arith.constant 64 : index
      %get3A_1043 = tpu.vector_load %arg13[%get3A_1041, %get3A_1042] {strides = array<i32>} : memref<512x128xf32, #tpu.memory_space<vmem>>, vector<16xf32>,
      %mul3A_1044 = arith.mulf %get3A_1043, %get3A_103 : vector<16xf32>
      %add3A_1045 = arith.addf %add3A_1038, %mul3A_1044 : vector<16xf32>
      %add3A_1046 = arith.constant 14 : i32
      %add3A_1047 = arith.addi %mul3A_214, %add3A_1046 : i32
      %get3A_1048 = arith.index_cast %add3A_1047 : i32 to index
      %get3A_1049 = arith.constant 80 : index
      %get3A_1050 = tpu.vector_load %arg13[%get3A_1048, %get3A_1049] {strides = array<i32>} : memref<512x128xf32, #tpu.memory_space<vmem>>, vector<16xf32>,
      %mul3A_1051 = arith.mulf %get3A_1050, %get3A_105 : vector<16xf32>
      %add3A_1052 = arith.addf %add3A_1045, %mul3A_1051 : vector<16xf32>
      %add3A_1053 = arith.constant 14 : i32
      %add3A_1054 = arith.addi %mul3A_214, %add3A_1053 : i32
      %get3A_1055 = arith.index_cast %add3A_1054 : i32 to index
      %get3A_1056 = arith.constant 96 : index
      %get3A_1057 = tpu.vector_load %arg13[%get3A_1055, %get3A_1056] {strides = array<i32>} : memref<512x128xf32, #tpu.memory_space<vmem>>, vector<16xf32>,
      %mul3A_1058 = arith.mulf %get3A_1057, %get3A_107 : vector<16xf32>
      %add3A_1059 = arith.addf %add3A_1052, %mul3A_1058 : vector<16xf32>
      %add3A_1060 = arith.constant 14 : i32
      %add3A_1061 = arith.addi %mul3A_214, %add3A_1060 : i32
      %get3A_1062 = arith.index_cast %add3A_1061 : i32 to index
      %get3A_1063 = arith.constant 112 : index
      %get3A_1064 = tpu.vector_load %arg13[%get3A_1062, %get3A_1063] {strides = array<i32>} : memref<512x128xf32, #tpu.memory_space<vmem>>, vector<16xf32>,
      %mul3A_1065 = arith.mulf %get3A_1064, %get3A_109 : vector<16xf32>
      %add3A_1066 = arith.addf %add3A_1059, %mul3A_1065 : vector<16xf32>
      %swap3A_1067 = arith.constant 224 : index
      %swap3A_1068 = tpu.vector_load %arg18[%swap3A_1067] {strides = array<i32>} : memref<256xf32, #tpu.memory_space<vmem>>, vector<16xf32>,
      tpu.vector_store %arg18[%swap3A_1067], %add3A_1066 {strides = array<i32>} : memref<256xf32, #tpu.memory_space<vmem>>, vector<16xf32>,
      %add3A_1069 = arith.constant 15 : i32
      %add3A_1070 = arith.addi %mul3A_214, %add3A_1069 : i32
      %get3A_1071 = arith.index_cast %add3A_1070 : i32 to index
      %get3A_1072 = arith.constant 0 : index
      %get3A_1073 = tpu.vector_load %arg13[%get3A_1071, %get3A_1072] {strides = array<i32>} : memref<512x128xf32, #tpu.memory_space<vmem>>, vector<16xf32>,
      %mul3A_1074 = arith.mulf %get3A_1073, %get3A_95 : vector<16xf32>
      %add3A_1075 = arith.constant 15 : i32
      %add3A_1076 = arith.addi %mul3A_214, %add3A_1075 : i32
      %get3A_1077 = arith.index_cast %add3A_1076 : i32 to index
      %get3A_1078 = arith.constant 16 : index
      %get3A_1079 = tpu.vector_load %arg13[%get3A_1077, %get3A_1078] {strides = array<i32>} : memref<512x128xf32, #tpu.memory_space<vmem>>, vector<16xf32>,
      %mul3A_1080 = arith.mulf %get3A_1079, %get3A_97 : vector<16xf32>
      %add3A_1081 = arith.addf %mul3A_1074, %mul3A_1080 : vector<16xf32>
      %add3A_1082 = arith.constant 15 : i32
      %add3A_1083 = arith.addi %mul3A_214, %add3A_1082 : i32
      %get3A_1084 = arith.index_cast %add3A_1083 : i32 to index
      %get3A_1085 = arith.constant 32 : index
      %get3A_1086 = tpu.vector_load %arg13[%get3A_1084, %get3A_1085] {strides = array<i32>} : memref<512x128xf32, #tpu.memory_space<vmem>>, vector<16xf32>,
      %mul3A_1087 = arith.mulf %get3A_1086, %get3A_99 : vector<16xf32>
      %add3A_1088 = arith.addf %add3A_1081, %mul3A_1087 : vector<16xf32>
      %add3A_1089 = arith.constant 15 : i32
      %add3A_1090 = arith.addi %mul3A_214, %add3A_1089 : i32
      %get3A_1091 = arith.index_cast %add3A_1090 : i32 to index
      %get3A_1092 = arith.constant 48 : index
      %get3A_1093 = tpu.vector_load %arg13[%get3A_1091, %get3A_1092] {strides = array<i32>} : memref<512x128xf32, #tpu.memory_space<vmem>>, vector<16xf32>,
      %mul3A_1094 = arith.mulf %get3A_1093, %get3A_101 : vector<16xf32>
      %add3A_1095 = arith.addf %add3A_1088, %mul3A_1094 : vector<16xf32>
      %add3A_1096 = arith.constant 15 : i32
      %add3A_1097 = arith.addi %mul3A_214, %add3A_1096 : i32
      %get3A_1098 = arith.index_cast %add3A_1097 : i32 to index
      %get3A_1099 = arith.constant 64 : index
      %get3A_1100 = tpu.vector_load %arg13[%get3A_1098, %get3A_1099] {strides = array<i32>} : memref<512x128xf32, #tpu.memory_space<vmem>>, vector<16xf32>,
      %mul3A_1101 = arith.mulf %get3A_1100, %get3A_103 : vector<16xf32>
      %add3A_1102 = arith.addf %add3A_1095, %mul3A_1101 : vector<16xf32>
      %add3A_1103 = arith.constant 15 : i32
      %add3A_1104 = arith.addi %mul3A_214, %add3A_1103 : i32
      %get3A_1105 = arith.index_cast %add3A_1104 : i32 to index
      %get3A_1106 = arith.constant 80 : index
      %get3A_1107 = tpu.vector_load %arg13[%get3A_1105, %get3A_1106] {strides = array<i32>} : memref<512x128xf32, #tpu.memory_space<vmem>>, vector<16xf32>,
      %mul3A_1108 = arith.mulf %get3A_1107, %get3A_105 : vector<16xf32>
      %add3A_1109 = arith.addf %add3A_1102, %mul3A_1108 : vector<16xf32>
      %add3A_1110 = arith.constant 15 : i32
      %add3A_1111 = arith.addi %mul3A_214, %add3A_1110 : i32
      %get3A_1112 = arith.index_cast %add3A_1111 : i32 to index
      %get3A_1113 = arith.constant 96 : index
      %get3A_1114 = tpu.vector_load %arg13[%get3A_1112, %get3A_1113] {strides = array<i32>} : memref<512x128xf32, #tpu.memory_space<vmem>>, vector<16xf32>,
      %mul3A_1115 = arith.mulf %get3A_1114, %get3A_107 : vector<16xf32>
      %add3A_1116 = arith.addf %add3A_1109, %mul3A_1115 : vector<16xf32>
      %add3A_1117 = arith.constant 15 : i32
      %add3A_1118 = arith.addi %mul3A_214, %add3A_1117 : i32
      %get3A_1119 = arith.index_cast %add3A_1118 : i32 to index
      %get3A_1120 = arith.constant 112 : index
      %get3A_1121 = tpu.vector_load %arg13[%get3A_1119, %get3A_1120] {strides = array<i32>} : memref<512x128xf32, #tpu.memory_space<vmem>>, vector<16xf32>,
      %mul3A_1122 = arith.mulf %get3A_1121, %get3A_109 : vector<16xf32>
      %add3A_1123 = arith.addf %add3A_1116, %mul3A_1122 : vector<16xf32>
      %swap3A_1124 = arith.constant 240 : index
      %swap3A_1125 = tpu.vector_load %arg18[%swap3A_1124] {strides = array<i32>} : memref<256xf32, #tpu.memory_space<vmem>>, vector<16xf32>,
      tpu.vector_store %arg18[%swap3A_1124], %add3A_1123 {strides = array<i32>} : memref<256xf32, #tpu.memory_space<vmem>>, vector<16xf32>,
      %gather3A = tpu.vector_load_idx %arg18[%add3A_117] : memref<256xf32, #tpu.memory_space<vmem>>[vector<16xi32>], vector<16xf32>,
      %gather3A_1126 = tpu.vector_load_idx %arg18[%add3A_123] : memref<256xf32, #tpu.memory_space<vmem>>[vector<16xi32>], vector<16xf32>,
      %add3A_1127 = arith.addf %gather3A, %gather3A_1126 : vector<16xf32>
      %gather3A_1128 = tpu.vector_load_idx %arg18[%add3A_129] : memref<256xf32, #tpu.memory_space<vmem>>[vector<16xi32>], vector<16xf32>,
      %add3A_1129 = arith.addf %add3A_1127, %gather3A_1128 : vector<16xf32>
      %gather3A_1130 = tpu.vector_load_idx %arg18[%add3A_135] : memref<256xf32, #tpu.memory_space<vmem>>[vector<16xi32>], vector<16xf32>,
      %add3A_1131 = arith.addf %add3A_1129, %gather3A_1130 : vector<16xf32>
      %gather3A_1132 = tpu.vector_load_idx %arg18[%add3A_141] : memref<256xf32, #tpu.memory_space<vmem>>[vector<16xi32>], vector<16xf32>,
      %add3A_1133 = arith.addf %add3A_1131, %gather3A_1132 : vector<16xf32>
      %gather3A_1134 = tpu.vector_load_idx %arg18[%add3A_147] : memref<256xf32, #tpu.memory_space<vmem>>[vector<16xi32>], vector<16xf32>,
      %add3A_1135 = arith.addf %add3A_1133, %gather3A_1134 : vector<16xf32>
      %gather3A_1136 = tpu.vector_load_idx %arg18[%add3A_153] : memref<256xf32, #tpu.memory_space<vmem>>[vector<16xi32>], vector<16xf32>,
      %add3A_1137 = arith.addf %add3A_1135, %gather3A_1136 : vector<16xf32>
      %gather3A_1138 = tpu.vector_load_idx %arg18[%add3A_159] : memref<256xf32, #tpu.memory_space<vmem>>[vector<16xi32>], vector<16xf32>,
      %add3A_1139 = arith.addf %add3A_1137, %gather3A_1138 : vector<16xf32>
      %gather3A_1140 = tpu.vector_load_idx %arg18[%add3A_165] : memref<256xf32, #tpu.memory_space<vmem>>[vector<16xi32>], vector<16xf32>,
      %add3A_1141 = arith.addf %add3A_1139, %gather3A_1140 : vector<16xf32>
      %gather3A_1142 = tpu.vector_load_idx %arg18[%add3A_171] : memref<256xf32, #tpu.memory_space<vmem>>[vector<16xi32>], vector<16xf32>,
      %add3A_1143 = arith.addf %add3A_1141, %gather3A_1142 : vector<16xf32>
      %gather3A_1144 = tpu.vector_load_idx %arg18[%add3A_177] : memref<256xf32, #tpu.memory_space<vmem>>[vector<16xi32>], vector<16xf32>,
      %add3A_1145 = arith.addf %add3A_1143, %gather3A_1144 : vector<16xf32>
      %gather3A_1146 = tpu.vector_load_idx %arg18[%add3A_183] : memref<256xf32, #tpu.memory_space<vmem>>[vector<16xi32>], vector<16xf32>,
      %add3A_1147 = arith.addf %add3A_1145, %gather3A_1146 : vector<16xf32>
      %gather3A_1148 = tpu.vector_load_idx %arg18[%add3A_189] : memref<256xf32, #tpu.memory_space<vmem>>[vector<16xi32>], vector<16xf32>,
      %add3A_1149 = arith.addf %add3A_1147, %gather3A_1148 : vector<16xf32>
      %gather3A_1150 = tpu.vector_load_idx %arg18[%add3A_195] : memref<256xf32, #tpu.memory_space<vmem>>[vector<16xi32>], vector<16xf32>,
      %add3A_1151 = arith.addf %add3A_1149, %gather3A_1150 : vector<16xf32>
      %gather3A_1152 = tpu.vector_load_idx %arg18[%add3A_201] : memref<256xf32, #tpu.memory_space<vmem>>[vector<16xi32>], vector<16xf32>,
      %add3A_1153 = arith.addf %add3A_1151, %gather3A_1152 : vector<16xf32>
      %gather3A_1154 = tpu.vector_load_idx %arg18[%add3A_207] : memref<256xf32, #tpu.memory_space<vmem>>[vector<16xi32>], vector<16xf32>,
      %add3A_1155 = arith.addf %add3A_1153, %gather3A_1154 : vector<16xf32>
      %get3A_1156 = arith.index_cast %mul3A_214 : i32 to index
      %get3A_1157 = tpu.vector_load %arg14[%get3A_1156] {strides = array<i32>} : memref<512xf32, #tpu.memory_space<vmem>>, vector<16xf32>,
      %add3A_1158 = arith.addf %add3A_1155, %get3A_111 : vector<16xf32>
      %neg3A = arith.constant 0.000000e+00 : f32
      %neg3A_1159 = vector.broadcast %neg3A : f32 to vector<16xf32>
      %neg3A_1160 = arith.subf %neg3A_1159, %add3A_1158 : vector<16xf32>
      %exp3A = math.exp %neg3A_1160 : vector<16xf32>
      %add3A_1161 = arith.constant 1.000000e+00 : f32
      %add3A_1162 = vector.broadcast %add3A_1161 : f32 to vector<16xf32>
      %add3A_1163 = arith.addf %add3A_1162, %exp3A : vector<16xf32>
      %div3A = arith.constant 1.000000e+00 : f32
      %div3A_1164 = vector.broadcast %div3A : f32 to vector<16xf32>
      %div3A_1165 = arith.divf %div3A_1164, %add3A_1163 : vector<16xf32>
      %sub3A = arith.constant 1.000000e+00 : f32
      %sub3A_1166 = vector.broadcast %sub3A : f32 to vector<16xf32>
      %sub3A_1167 = arith.subf %sub3A_1166, %get3A_1157 : vector<16xf32>
      %min3A = arith.minimumf %div3A_1165, %sub3A_1167 : vector<16xf32>
      %add3A_1168 = arith.addf %get3A_1157, %min3A : vector<16xf32>
      %gt3A = arith.constant 0.000000e+00 : f32
      %gt3A_1169 = vector.broadcast %gt3A : f32 to vector<16xf32>
      %gt3A_1170 = arith.cmpf ogt, %get3A_1157, %gt3A_1169 : vector<16xf32>
      %select_n3A = arith.select %gt3A_1170, %div3A_1165, %add3A_1168 : vector<16xi1>, vector<16xf32>
      %swap3A_1171 = arith.index_cast %mul3A_214 : i32 to index
      %swap3A_1172 = tpu.vector_load %arg15[%swap3A_1171] {strides = array<i32>} : memref<512xf32, #tpu.memory_space<vmem>>, vector<16xf32>,
      tpu.vector_store %arg15[%swap3A_1171], %select_n3A {strides = array<i32>} : memref<512xf32, #tpu.memory_space<vmem>>, vector<16xf32>,
    }
    %scan3A_211 = arith.constant 32 : i32
    "tpu.region"() ({
      %run_scoped3A = tpu.sem_alloc : memref<!tpu.dma_semaphore, #tpu.memory_space<semaphore_mem>>
      %dma_start3A_212 = arith.constant 0 : i32
      %dma_start3A_213 = tpu.memref_slice %arg15[%dma_start3A_212] : memref<512xf32, #tpu.memory_space<vmem>> -> memref<128xf32, #tpu.memory_space<vmem>>
      %dma_start3A_214 = arith.constant 0 : i32
      %dma_start3A_215 = tpu.memref_slice %arg7[%dma_start3A_214] : memref<100000xf32, #tpu.memory_space<hbm>> -> memref<100000xf32, #tpu.memory_space<hbm>>
      tpu.enqueue_indirect_dma source(%dma_start3A_213 : memref<128xf32, #tpu.memory_space<vmem>>) target(%dma_start3A_215 : memref<100000xf32, #tpu.memory_space<hbm>>) offsets(%arg9 : memref<128xi32, #tpu.memory_space<vmem>>) semaphore(%run_scoped3A : memref<!tpu.dma_semaphore, #tpu.memory_space<semaphore_mem>>)
      %dma_wait3A_216 = arith.constant 0 : i32
      %dma_wait3A_217 = tpu.memref_slice %arg15[%dma_wait3A_216] : memref<512xf32, #tpu.memory_space<vmem>> -> memref<128xf32, #tpu.memory_space<vmem>>
      %dma_wait3A_218 = arith.constant 0 : i32
      %dma_wait3A_219 = tpu.memref_slice %arg7[%dma_wait3A_218] : memref<100000xf32, #tpu.memory_space<hbm>> -> memref<100000xf32, #tpu.memory_space<hbm>>
      tpu.wait_indirect_dma semaphore(%run_scoped3A : memref<!tpu.dma_semaphore, #tpu.memory_space<semaphore_mem>>) src(%dma_wait3A_217 : memref<128xf32, #tpu.memory_space<vmem>>) dst(%dma_wait3A_219 : memref<100000xf32, #tpu.memory_space<hbm>>)
      tpu.yield
    }) : () -> ()
    "tpu.region"() ({
      %run_scoped3A = tpu.sem_alloc : memref<!tpu.dma_semaphore, #tpu.memory_space<semaphore_mem>>
      %dma_start3A_212 = arith.constant 128 : i32
      %dma_start3A_213 = tpu.memref_slice %arg15[%dma_start3A_212] : memref<512xf32, #tpu.memory_space<vmem>> -> memref<128xf32, #tpu.memory_space<vmem>>
      %dma_start3A_214 = arith.constant 0 : i32
      %dma_start3A_215 = tpu.memref_slice %arg7[%dma_start3A_214] : memref<100000xf32, #tpu.memory_space<hbm>> -> memref<100000xf32, #tpu.memory_space<hbm>>
      tpu.enqueue_indirect_dma source(%dma_start3A_213 : memref<128xf32, #tpu.memory_space<vmem>>) target(%dma_start3A_215 : memref<100000xf32, #tpu.memory_space<hbm>>) offsets(%arg10 : memref<128xi32, #tpu.memory_space<vmem>>) semaphore(%run_scoped3A : memref<!tpu.dma_semaphore, #tpu.memory_space<semaphore_mem>>)
      %dma_wait3A_216 = arith.constant 128 : i32
      %dma_wait3A_217 = tpu.memref_slice %arg15[%dma_wait3A_216] : memref<512xf32, #tpu.memory_space<vmem>> -> memref<128xf32, #tpu.memory_space<vmem>>
      %dma_wait3A_218 = arith.constant 0 : i32
      %dma_wait3A_219 = tpu.memref_slice %arg7[%dma_wait3A_218] : memref<100000xf32, #tpu.memory_space<hbm>> -> memref<100000xf32, #tpu.memory_space<hbm>>
      tpu.wait_indirect_dma semaphore(%run_scoped3A : memref<!tpu.dma_semaphore, #tpu.memory_space<semaphore_mem>>) src(%dma_wait3A_217 : memref<128xf32, #tpu.memory_space<vmem>>) dst(%dma_wait3A_219 : memref<100000xf32, #tpu.memory_space<hbm>>)
      tpu.yield
    }) : () -> ()
    "tpu.region"() ({
      %run_scoped3A = tpu.sem_alloc : memref<!tpu.dma_semaphore, #tpu.memory_space<semaphore_mem>>
      %dma_start3A_212 = arith.constant 256 : i32
      %dma_start3A_213 = tpu.memref_slice %arg15[%dma_start3A_212] : memref<512xf32, #tpu.memory_space<vmem>> -> memref<128xf32, #tpu.memory_space<vmem>>
      %dma_start3A_214 = arith.constant 0 : i32
      %dma_start3A_215 = tpu.memref_slice %arg7[%dma_start3A_214] : memref<100000xf32, #tpu.memory_space<hbm>> -> memref<100000xf32, #tpu.memory_space<hbm>>
      tpu.enqueue_indirect_dma source(%dma_start3A_213 : memref<128xf32, #tpu.memory_space<vmem>>) target(%dma_start3A_215 : memref<100000xf32, #tpu.memory_space<hbm>>) offsets(%arg11 : memref<128xi32, #tpu.memory_space<vmem>>) semaphore(%run_scoped3A : memref<!tpu.dma_semaphore, #tpu.memory_space<semaphore_mem>>)
      %dma_wait3A_216 = arith.constant 256 : i32
      %dma_wait3A_217 = tpu.memref_slice %arg15[%dma_wait3A_216] : memref<512xf32, #tpu.memory_space<vmem>> -> memref<128xf32, #tpu.memory_space<vmem>>
      %dma_wait3A_218 = arith.constant 0 : i32
      %dma_wait3A_219 = tpu.memref_slice %arg7[%dma_wait3A_218] : memref<100000xf32, #tpu.memory_space<hbm>> -> memref<100000xf32, #tpu.memory_space<hbm>>
      tpu.wait_indirect_dma semaphore(%run_scoped3A : memref<!tpu.dma_semaphore, #tpu.memory_space<semaphore_mem>>) src(%dma_wait3A_217 : memref<128xf32, #tpu.memory_space<vmem>>) dst(%dma_wait3A_219 : memref<100000xf32, #tpu.memory_space<hbm>>)
      tpu.yield
    }) : () -> ()
    "tpu.region"() ({
      %run_scoped3A = tpu.sem_alloc : memref<!tpu.dma_semaphore, #tpu.memory_space<semaphore_mem>>
      %dma_start3A_212 = arith.constant 384 : i32
      %dma_start3A_213 = tpu.memref_slice %arg15[%dma_start3A_212] : memref<512xf32, #tpu.memory_space<vmem>> -> memref<128xf32, #tpu.memory_space<vmem>>
      %dma_start3A_214 = arith.constant 0 : i32
      %dma_start3A_215 = tpu.memref_slice %arg7[%dma_start3A_214] : memref<100000xf32, #tpu.memory_space<hbm>> -> memref<100000xf32, #tpu.memory_space<hbm>>
      tpu.enqueue_indirect_dma source(%dma_start3A_213 : memref<128xf32, #tpu.memory_space<vmem>>) target(%dma_start3A_215 : memref<100000xf32, #tpu.memory_space<hbm>>) offsets(%arg12 : memref<128xi32, #tpu.memory_space<vmem>>) semaphore(%run_scoped3A : memref<!tpu.dma_semaphore, #tpu.memory_space<semaphore_mem>>)
      %dma_wait3A_216 = arith.constant 384 : i32
      %dma_wait3A_217 = tpu.memref_slice %arg15[%dma_wait3A_216] : memref<512xf32, #tpu.memory_space<vmem>> -> memref<128xf32, #tpu.memory_space<vmem>>
      %dma_wait3A_218 = arith.constant 0 : i32
      %dma_wait3A_219 = tpu.memref_slice %arg7[%dma_wait3A_218] : memref<100000xf32, #tpu.memory_space<hbm>> -> memref<100000xf32, #tpu.memory_space<hbm>>
      tpu.wait_indirect_dma semaphore(%run_scoped3A : memref<!tpu.dma_semaphore, #tpu.memory_space<semaphore_mem>>) src(%dma_wait3A_217 : memref<128xf32, #tpu.memory_space<vmem>>) dst(%dma_wait3A_219 : memref<100000xf32, #tpu.memory_space<hbm>>)
      tpu.yield
    }) : () -> ()
    return
  }
}

</mosaic_0001>

<sc_bundles>
// kernel: kernel.3.cloned.1.call-start
scs
__scs_entry_jumppad:
0x0: {  	(pc) =	sbr.rel $0x88, $3  }
0x1: {  	(tag) =	ssettag $0x0;
	lr =	simm.s32 $0x1  }
0x2: {  	[smem:$0x3F9C] =	sst lr;
	_ =	strace $0xD0000000  }
0x3: {  	_ = 	snop  }
0x4: {  	_ = 	snop  }
0x5: {  	_ = 	snop  }
0x6: {  	_ = 	snop  }
0x7: {  	_ = 	snop  }
__scs_overlays_trampoline_lowered:
0x8: {  	[smem:$0x3FAB] =	sst s0  }
0x9: {  	[smem:$0x3FAC] =	sst s1  }
0xa: {  	[smem:$0x3FAD] =	sst s2  }
0xb: {  	[smem:$0x3FAE] =	sst s3  }
0xc: {  	[smem:$0x3FAF] =	sst s4  }
0xd: {  	[smem:$0x3FB0] =	sst s5  }
0xe: {  	[smem:$0x3FB1] =	sst s6  }
0xf: {  	[smem:$0x3FB2] =	sst s7  }
0x10: {  	[smem:$0x3FB3] =	sst s8  }
0x11: {  	[smem:$0x3FB4] =	sst s9;
	s0 =	simm.s32 @!p0 $0x0  }
0x12: {  	s1 =	sld [smem:$0x3F9A];
	s0 =	simm.s32 @p0 $0x1  }
0x13: {  	[smem:$0x3FB5] =	sst s0;
	s0 =	simm.s32 @!p1 $0x0  }
0x14: {  	s2 =	sld [smem:$0x3F99];
	s0 =	simm.s32 @p1 $0x1  }
0x15: {  	[smem:$0x3FB6] =	sst s0;
	s0 =	simm.s32 @!p2 $0x0  }
0x16: {  	s3 =	sld [smem:$0x3FDB];
	s0 =	simm.s32 @p2 $0x1  }
0x17: {  	s4 =	simm.s32 $0x1BF5;
	[smem:$0x3FB8] =	sst s0  }
0x18: {  	s0 =	sld [smem:$0x3F9B];
	_ =	swait.ge [sflag:s4], $0x0  }
0x19: {  	s7 =	sld [smem:$0x3F9C]  }
0x1a: {  	s8 =	sadd.s32 $0xFFFFE003, lr  }
0x1b: {  	s9 =	sadd.s32 $0xFFFFFEF7, lr;
	s5 =	simm.s32 $0xFFFFFFFF;
	p2 =	slt.u32 s8, $0xFFFFF086  }
0x1c: {  	p1 =	slt.u32 s9, $0xF7A;
	s5 =	simm.s32 @!p2 $0x0  }
0x1d: {  	s5 =	simm.s32 @p1 $0x1;
	p0 =	seq.s32 s7, s2  }
0x1e: {  	s7 =	smul.u32 @!p0 $0xF7A, s2;
	p2 =	seq.s32 @!p0 s5, $0x0  }
0x1f: {  	s9 =	smul.u32 $0xF7A, s1;
	s8 =	simm.s32 @!p0 $0x1BF5;
	p2 =	por !p2, p0  }
0x20: {  	[sflag:s8] =	ssyncset.s32 @!p0 $0xFFFFF086;
	s6 =	sadd.s32 @!p0 s3, s7;
	s7 =	simm.s32 @!p0 $0x108  }
0x21: {  	s3 =	sadd.s32 s3, s9;
	s6 =	sadd.s32 @!p0 $0x88, s6;
	s7 =	simm.s32 @p2 $0x1082  }
0x22: {  	[simem:s7], [sflag:s8] =	dma.local @!p0 [hbm:s6], $0xF7A  }
0x23: {  	s9 =	sor.u32 $0xD0000000, s2;
	s6 =	simm.s32 $0x108;
	_ =	swait.ge @!p0 [sflag:s8], $0x0  }
0x24: {  	s3 =	sadd.s32 $0x88, s3;
	s6 =	simm.s32 @!p1 $0x1082;
	[sflag:s4] =	ssyncset.s32 $0xFFFFF086  }
0x25: {  	[simem:s6], [sflag:s4] =	dma.local [hbm:s3], $0xF7A  }
0x26: {  	[smem:$0x3F9C] =	sst s1;
	(tag) =	ssettag s2;
	_ =	strace s9  }
0x27: {  	s1 =	sld [smem:$0x3FAC]  }
0x28: {  	s2 =	sld [smem:$0x3FAD]  }
0x29: {  	s4 =	sld [smem:$0x3FAF]  }
0x2a: {  	p0 =	seq.s32 s5, $0x0;
	s5 =	sld [smem:$0x3FB0]  }
0x2b: {  	s6 =	sld [smem:$0x3FB1]  }
0x2c: {  	s7 =	sld [smem:$0x3FB2]  }
0x2d: {  	s3 =	simm.s32 $0x108;
	s8 =	sld [smem:$0x3FB3]  }
0x2e: {  	s3 =	simm.s32 @!p0 $0x1082;
	s9 =	sld [smem:$0x3FB4]  }
0x2f: {  	lr =	sadd.s32 s0, s3;
	s0 =	sld [smem:$0x3FAB]  }
0x30: {  	s3 =	sld [smem:$0x3FAE]  }
0x31: {  	[smem:$0x3FB7] =	sst s10  }
0x32: {  	s10 =	sld [smem:$0x3FB5];
	_ =	sdelay $0x3  }
0x33: {  	p0 =	seq.s32 s10, $0x1;
	s10 =	sld [smem:$0x3FB7];
	_ =	sdelay $0x3  }
0x34: {  	[smem:$0x3FB7] =	sst s10  }
0x35: {  	s10 =	sld [smem:$0x3FB6];
	_ =	sdelay $0x3  }
0x36: {  	p1 =	seq.s32 s10, $0x1;
	s10 =	sld [smem:$0x3FB7];
	_ =	sdelay $0x3  }
0x37: {  	[smem:$0x3FB7] =	sst s10  }
0x38: {  	s10 =	sld [smem:$0x3FB8]  }
0x39: {  	_ = 	snop;
	(pc) =	sbr.ind lr, $3  }
0x3a: {  	_ = 	snop  }
0x3b: {  	_ = 	snop  }
0x3c: {  	p2 =	seq.s32 s10, $0x1;
	s10 =	sld [smem:$0x3FB7]  }
0x3d: {  	_ =	shalt  }
0x3e: {  	_ =	shalt  }
0x3f: {  	_ =	shalt  }
0x40: {  	_ =	shalt  }
0x41: {  	_ =	shalt  }
0x42: {  	_ =	shalt  }
0x43: {  	_ =	shalt  }
0x44: {  	_ =	shalt  }
0x45: {  	_ =	shalt  }
0x46: {  	_ =	shalt  }
0x47: {  	_ =	shalt  }
0x48: {  	_ =	shalt  }
0x49: {  	_ =	shalt  }
0x4a: {  	_ =	shalt  }
0x4b: {  	_ =	shalt  }
0x4c: {  	_ =	shalt  }
0x4d: {  	_ =	shalt  }
0x4e: {  	_ =	shalt  }
0x4f: {  	_ =	shalt  }
0x50: {  	_ =	shalt  }
0x51: {  	_ =	shalt  }
0x52: {  	_ =	shalt  }
0x53: {  	_ =	shalt  }
0x54: {  	_ =	shalt  }
0x55: {  	_ =	shalt  }
0x56: {  	_ =	shalt  }
0x57: {  	_ =	shalt  }
0x58: {  	_ =	shalt  }
0x59: {  	_ =	shalt  }
0x5a: {  	_ =	shalt  }
0x5b: {  	_ =	shalt  }
0x5c: {  	_ =	shalt  }
0x5d: {  	_ =	shalt  }
0x5e: {  	_ =	shalt  }
0x5f: {  	_ =	shalt  }
0x60: {  	_ =	shalt  }
0x61: {  	_ =	shalt  }
0x62: {  	_ =	shalt  }
0x63: {  	_ =	shalt  }
0x64: {  	_ =	shalt  }
0x65: {  	_ =	shalt  }
0x66: {  	_ =	shalt  }
0x67: {  	_ =	shalt  }
0x68: {  	_ =	shalt  }
0x69: {  	_ =	shalt  }
0x6a: {  	_ =	shalt  }
0x6b: {  	_ =	shalt  }
0x6c: {  	_ =	shalt  }
0x6d: {  	_ =	shalt  }
0x6e: {  	_ =	shalt  }
0x6f: {  	_ =	shalt  }
0x70: {  	_ =	shalt  }
0x71: {  	_ =	shalt  }
0x72: {  	_ =	shalt  }
0x73: {  	_ =	shalt  }
0x74: {  	_ =	shalt  }
0x75: {  	_ =	shalt  }
0x76: {  	_ =	shalt  }
0x77: {  	_ =	shalt  }
0x78: {  	_ =	shalt  }
0x79: {  	_ =	shalt  }
0x7a: {  	_ =	shalt  }
0x7b: {  	_ =	shalt  }
0x7c: {  	_ =	shalt  }
0x7d: {  	_ =	shalt  }
0x7e: {  	_ =	shalt  }
0x7f: {  	_ =	shalt  }
0x80: {  	_ =	shalt  }
0x81: {  	_ =	shalt  }
0x82: {  	_ =	shalt  }
0x83: {  	_ =	shalt  }
0x84: {  	_ =	shalt  }
0x85: {  	_ =	shalt  }
0x86: {  	_ =	shalt  }
0x87: {  	_ =	shalt  }
.Lfunc_end0:
.L_simem_size_0:
called_computation_lowered:
.L_overlay_start_0:
0x88: {  	s2 =	sld [smem:$0x3FD9]  }
0x89: {  	s3 =	sld [smem:$0x3FFE];
	_ =	sdelay $0x1  }
0x8a: {  	s1 =	srdreg.scid  }
0x8b: {  	s0 =	sand.u32 $0x1, s1  }
0x8c: {  	s17 =	sshll.u32 s0, $0xA;
	s2 =	sadd.s32 s3, s2  }
0x8d: {  	s2 =	sadd.s32 s2, s17  }
0x8e: {  	[smem:$0x3FC3] =	sst s2  }
0x8f: {  	_ = 	snop  }
0x90: {  	s2 =	sld [smem:$0x3FC8]  }
0x91: {  	s18 =	sld [smem:$0x3FC7]  }
0x92: {  	s4 =	sld [smem:$0x3FC6];
	(tm) =	ssettm $0x1  }
0x93: {  	s5 =	sld [smem:$0x3FFB];
	_ =	sdelay $0x3  }
0x94: {  	_ =	strace s5  }
0x95: {  	s5 =	sld [smem:$0x3FFC];
	_ =	sdelay $0x3  }
0x96: {  	_ =	strace s5  }
0x97: {  	s5 =	sld [smem:$0x3FFD];
	_ =	sdelay $0x3  }
0x98: {  	_ =	strace s5  }
0x99: {  	_ =	strace $0x8FFFFFFF  }
0x9a: {  	s19 =	sld [smem:$0x3FDB];
	_ =	sdelay $0x1  }
0x9b: {  	s6 =	simm.s32 $_scs_section_size  }
0x9c: {  	s7 =	simm.s32 $_size__tile_overlayer_lowered;
	s8 =	simm.s32 $_tile_overlayer_lowered  }
0x9d: {  	s22 =	simm.s32 $0x1BFF;
	s21 =	sshll.u32 s8, $0x1;
	s5 =	sadd.s32 s6, s19  }
0x9e: {  	s9 =	simm.s32 $0x0;
	s20 =	sshll.u32 s7, $0x1;
	s7 =	sadd.s32 s21, s5  }
0x9f: {  	[timem:s9], [sflag:s22] =	dma.local [hbm:s7], s20  }
0xa0: {  	_ =	swait.ge [sflag:s22], s20  }
0xa1: {  	s6 =	ssub.s32 $0x0, s20;
	[sflag:s22] =	ssyncset.done $0x0  }
0xa2: {  	[sflag:s22] =	ssyncadd.s32 s6;
	_ =	sdelay $0x1  }
0xa3: {  	s23 =	simm.s32 $0x1B8B  }
0xa4: {  	_ =	swait.ge [sflag:s23], $0x1  }
0xa5: {  	[sflag:s23] =	ssyncset.done $0x0  }
0xa6: {  	s25 =	simm.s32 $0x1B8E;
	s24 =	sld [smem:$0x3FFE];
	[sflag:s23] =	ssyncadd.s32 $0xFFFFFFFF  }
0xa7: {  	s26 =	simm.s32 $execute0_lowered;
	[smem:$0x3FD2] =	sst s25  }
0xa8: {  	s7 =	sshll.u32 s26, $0x1;
	_ =	strace $0x80000046;
	[dreg:$0x1] =	wrdreg $0xFFFFFFFF  }
0xa9: {  	s28 =	simm.s32 $_size_execute0_lowered;
	s5 =	sadd.s32 s5, s7;
	[dreg:$0x0] =	wrdreg $0x0  }
0xaa: {  	s7 =	sshll.u32 s28, $0x1;
	[dreg:$0x2] =	wrdreg s5  }
0xab: {  	[dreg:$0x3] =	wrdreg s7  }
0xac: {  	[dreg:$0x4] =	wrdreg $0xC0  }
0xad: {  	_ =	task [dreg:s9], $0x5FFFF  }
0xae: {  	[dreg:$0x1] =	wrdreg $0xFFFFFFFF  }
0xaf: {  	[dreg:$0x0] =	wrdreg $0x60  }
0xb0: {  	[dreg:$0x2] =	wrdreg s24  }
0xb1: {  	[dreg:$0x3] =	wrdreg s2  }
0xb2: {  	[dreg:$0x4] =	wrdreg s18  }
0xb3: {  	[dreg:$0x5] =	wrdreg s4  }
0xb4: {  	[dreg:$0x6] =	wrdreg $0x9  }
0xb5: {  	_ =	task.clear_ibuf [dreg:s9], $0x7FFFF;
	_ =	strace $0x90000046  }
0xb6: {  	s29 =	simm.s32 $0x9;
	_ =	strace $0x80000048  }
0xb7: {  	_ =	swait.ge [sflag:s29], $0x1  }
0xb8: {  	[sflag:s29] =	ssyncadd.s32 $0xFFFFFFFF  }
0xb9: {  	_ =	strace $0x90000048  }
0xba: {  	_ =	sfence  }
0xbb: {  	s30 =	sld [smem:$0x0];
	_ =	sdelay $0x2  }
0xbc: {  	s31 =	sshll.u32 s1, $0xD;
	s1 =	sshrl.u32 s1, $0x2  }
0xbd: {  	s3 =	sand.u32 $0x4000, s31;
	s1 =	sadd.s32 s1, s30  }
0xbe: {  	s0 =	sor.u32 s3, s0;
	s1 =	sshll.u32 s1, $0x11  }
0xbf: {  	s0 =	sor.u32 s1, s0  }
0xc0: {  	s0 =	sadd.s32 $0x8F2B, s0  }
0xc1: {  	[sflag:s0] =	ssyncadd.remote.s32 $0x1  }
0xc2: {  	_ =	sfence.sel $0xFFFF  }
0xc3: {  	[dreg:$0x0] =	wrdreg $0xFFFFFFFF;
	(pc) =	sbr.abs _section_cstart, $3  }
0xc4: {  	[dreg:$0x1] =	wrdreg $0xFFFFFFFF  }
0xc5: {  	_ =	task.clear_ibuf [dreg:s9], $0x2FFFF;
	_ =	strace $0x9FFFFFFF  }
0xc6: {  	(tm) =	ssettm $0x7FFFFFFF  }
0xc7: {  	_ =	shalt  }
tec
execute0_lowered:
.L_overlay_start_1:
0x0: {  	(tag) =	ssettag $0x1  }
0x1: {  	s0 =	rddreg [dreg:$0x0]  }
0x2: {  	s1 =	rddreg [dreg:$0x1]  }
0x3: {  	s2 =	rddreg [dreg:$0x2];
	s4 =	simm.s32 $0x0;
	s3 =	srdreg.scid  }
0x4: {  	s5 =	stileid.u32;
	s13 =	simm.s32 $0x2;
	s14 =	simm.s32 $0x80  }
0x5: {  	s15 =	simm.s32 $0x100;
	s16 =	simm.s32 $0x180;
	s20 =	simm.s32 $0x10200  }
0x6: {  	s21 =	simm.s32 $0x4200;
	s22 =	simm.s32 $0x10280;
	s23 =	simm.s32 $0x8200  }
0x7: {  	s24 =	simm.s32 $0x10300;
	s25 =	simm.s32 $0xC200;
	s28 =	simm.s32 $0x1  }
0x8: {  	v0 =	vlaneseq.u32;
	s29 =	simm.s32 $0x10700;
	s30 =	simm.s32 $0x10400;
	s31 =	simm.s32 $0x10480  }
0x9: {  	[smem:$0x7FF] =	sst s4;
	s3 =	sand.u32 $0x1, s3;
	s7 =	sshll.u32 s5, $0x6;
	v0 =	vmul.u32 $0x10, v0  }
0xa: {  	s5 =	sadd.s32 $0x200, s0;
	s8 =	sadd.s32 $0x3400, s0;
	s6 =	sshll.u32 s3, $0xA  }
0xb: {  	_ =	strace $0x80000047;
	s3 =	ssub.s32 $0x2, s3;
	s7 =	sor.u32 s6, s7;
	v1 =	vor.u32 $0x1, v0;
	v2 =	vor.u32 $0x2, v0;
	v3 =	vor.u32 $0x3, v0  }
0xc: {  	s6 =	sadd.s32 $0x6600, s0;
	s9 =	sshrl.u32 s3, $0x1;
	v4 =	vor.u32 $0x4, v0;
	v5 =	vor.u32 $0x5, v0;
	v6 =	vor.u32 $0x6, v0;
	s0 =	simm.s32 $0x10500  }
0xd: {  	v7 =	vor.u32 $0x7, v0;
	v8 =	vor.u32 $0x8, v0;
	v9 =	vor.u32 $0x9, v0;
	s7 =	sadd.s32 s2, s7;
	s26 =	ssub.s32 s3, s9;
	s3 =	simm.s32 $0x10580  }
0xe: {  	v10 =	vor.u32 $0xA, v0;
	v11 =	vor.u32 $0xB, v0;
	v12 =	vor.u32 $0xC, v0;
	s2 =	simm.s32 $0x0;
	s9 =	sadd.s32 $0x10, s7;
	s10 =	sadd.s32 $0x20, s7  }
0xf: {  	v13 =	vor.u32 $0xD, v0;
	v14 =	vor.u32 $0xE, v0;
	v15 =	vor.u32 $0xF, v0;
	s11 =	sadd.s32 $0x30, s7;
	s12 =	smax.u32 s26, $0x1;
	s26 =	simm.s32 $0x10380  }
.LBB2_1:
0x10: {  	[tilespmem:s4], [sflag:$0x2] =	stream.linear.gather [hbm4b:s7+s4], $0x80, $0x38;
	[tilespmem:$0x10800] =	vst v63  }
0x11: {  	_ =	swait.ge [sflag:s13], $0x80  }
0x12: {  	[sflag:s13] =	ssyncset.done $0x0  }
0x13: {  	[sflag:s13] =	ssyncadd.s32 $0xFFFFFF80  }
0x14: {  	[tilespmem:s14], [sflag:$0x2] =	stream.linear.gather [hbm4b:s9+s4], $0x80, $0x38;
	[tilespmem:$0x10800] =	vst v63  }
0x15: {  	_ =	swait.ge [sflag:s13], $0x80  }
0x16: {  	[sflag:s13] =	ssyncset.done $0x0  }
0x17: {  	[sflag:s13] =	ssyncadd.s32 $0xFFFFFF80  }
0x18: {  	[tilespmem:s15], [sflag:$0x2] =	stream.linear.gather [hbm4b:s10+s4], $0x80, $0x38;
	[tilespmem:$0x10800] =	vst v63  }
0x19: {  	_ =	swait.ge [sflag:s13], $0x80  }
0x1a: {  	[sflag:s13] =	ssyncset.done $0x0  }
0x1b: {  	[sflag:s13] =	ssyncadd.s32 $0xFFFFFF80  }
0x1c: {  	[tilespmem:s16], [sflag:$0x2] =	stream.linear.gather [hbm4b:s11+s4], $0x80, $0x38;
	[tilespmem:$0x10800] =	vst v63  }
0x1d: {  	_ =	swait.ge [sflag:s13], $0x80  }
0x1e: {  	[sflag:s13] =	ssyncset.done $0x0  }
0x1f: {  	[sflag:s13] =	ssyncadd.s32 $0xFFFFFF80  }
0x20: {  	s18 =	simm.s32 $0x10600;
	s17 =	rddreg [dreg:$0x3]  }
0x21: {  	[tilespmem:s18], [sflag:$0x2] =	stream.linear.gather [hbm4b:s17+s4], $0x80, $0x38;
	[tilespmem:$0x10800] =	vst v63  }
0x22: {  	_ =	swait.ge [sflag:s13], $0x80  }
0x23: {  	[sflag:s13] =	ssyncset.done $0x0  }
0x24: {  	s18 =	simm.s32 $0x10680;
	[sflag:s13] =	ssyncadd.s32 $0xFFFFFF80  }
0x25: {  	[tilespmem:s18], [sflag:$0x2] =	stream.linear.gather [hbm4b:s6+s4], $0x80, $0x38;
	[tilespmem:$0x10800] =	vst v63  }
0x26: {  	_ =	swait.ge [sflag:s13], $0x80  }
0x27: {  	[sflag:s13] =	ssyncset.done $0x0  }
0x28: {  	s19 =	simm.s32 $0x200;
	[sflag:s13] =	ssyncadd.s32 $0xFFFFFF80  }
0x29: {  	[tilespmem:s19], [sflag:$0x1] =	stream.indirect.gather [hbm4b:s1+s14], $0x80, s4, s14, $0xb8;
	[tilespmem:$0x10800] =	vst v63  }
0x2a: {  	_ = 	snop  }
0x2b: {  	[tilespmem:s20], [sflag:$0x1] =	stream.indirect.gather [hbm4b:s5+s14], $0x1, s4, s14, $0xb8;
	[tilespmem:$0x10800] =	vst v63  }
0x2c: {  	_ = 	snop  }
0x2d: {  	[tilespmem:s21], [sflag:$0x1] =	stream.indirect.gather [hbm4b:s1+s14], $0x80, s14, s14, $0xb8;
	[tilespmem:$0x10800] =	vst v63  }
0x2e: {  	_ = 	snop  }
0x2f: {  	[tilespmem:s22], [sflag:$0x1] =	stream.indirect.gather [hbm4b:s5+s14], $0x1, s14, s14, $0xb8;
	[tilespmem:$0x10800] =	vst v63  }
0x30: {  	_ = 	snop  }
0x31: {  	[tilespmem:s23], [sflag:$0x1] =	stream.indirect.gather [hbm4b:s1+s14], $0x80, s15, s14, $0xb8;
	[tilespmem:$0x10800] =	vst v63  }
0x32: {  	_ = 	snop  }
0x33: {  	[tilespmem:s24], [sflag:$0x1] =	stream.indirect.gather [hbm4b:s5+s14], $0x1, s15, s14, $0xb8;
	[tilespmem:$0x10800] =	vst v63  }
0x34: {  	_ = 	snop  }
0x35: {  	[tilespmem:s25], [sflag:$0x1] =	stream.indirect.gather [hbm4b:s1+s14], $0x80, s16, s14, $0xb8;
	[tilespmem:$0x10800] =	vst v63  }
0x36: {  	_ = 	snop  }
0x37: {  	[tilespmem:s26], [sflag:$0x1] =	stream.indirect.gather [hbm4b:s5+s14], $0x1, s16, s14, $0xb8;
	[tilespmem:$0x10800] =	vst v63  }
0x38: {  	_ =	swait.ge [sflag:s28], $0x4000  }
0x39: {  	[sflag:s28] =	ssyncset.done $0x0  }
0x3a: {  	[sflag:s28] =	ssyncadd.s32 $0xFFFFC000  }
0x3b: {  	_ =	swait.ge [sflag:s28], $0x80  }
0x3c: {  	[sflag:s28] =	ssyncset.done $0x0  }
0x3d: {  	[sflag:s28] =	ssyncadd.s32 $0xFFFFFF80  }
0x3e: {  	_ =	swait.ge [sflag:s28], $0x4000  }
0x3f: {  	[sflag:s28] =	ssyncset.done $0x0  }
0x40: {  	[sflag:s28] =	ssyncadd.s32 $0xFFFFC000  }
0x41: {  	_ =	swait.ge [sflag:s28], $0x80  }
0x42: {  	[sflag:s28] =	ssyncset.done $0x0  }
0x43: {  	[sflag:s28] =	ssyncadd.s32 $0xFFFFFF80  }
0x44: {  	_ =	swait.ge [sflag:s28], $0x4000  }
0x45: {  	[sflag:s28] =	ssyncset.done $0x0  }
0x46: {  	[sflag:s28] =	ssyncadd.s32 $0xFFFFC000  }
0x47: {  	_ =	swait.ge [sflag:s28], $0x80  }
0x48: {  	[sflag:s28] =	ssyncset.done $0x0  }
0x49: {  	[sflag:s28] =	ssyncadd.s32 $0xFFFFFF80  }
0x4a: {  	_ =	swait.ge [sflag:s28], $0x4000  }
0x4b: {  	[sflag:s28] =	ssyncset.done $0x0  }
0x4c: {  	[sflag:s28] =	ssyncadd.s32 $0xFFFFC000  }
0x4d: {  	_ =	swait.ge [sflag:s28], $0x80  }
0x4e: {  	[sflag:s28] =	ssyncset.done $0x0  }
0x4f: {  	[sflag:s28] =	ssyncadd.s32 $0xFFFFFF80  }
0x50: {  	v16 =	vld [tilespmem:$0x10600]  }
0x51: {  	v17 =	vld [tilespmem:$0x10610]  }
0x52: {  	v18 =	vld [tilespmem:$0x10620]  }
0x53: {  	v19 =	vld [tilespmem:$0x10630]  }
0x54: {  	v20 =	vld [tilespmem:$0x10640]  }
0x55: {  	v21 =	vld [tilespmem:$0x10650]  }
0x56: {  	v22 =	vld [tilespmem:$0x10660]  }
0x57: {  	v23 =	vld [tilespmem:$0x10670]  }
0x58: {  	s17 =	simm.s32 $0x600;
	s18 =	simm.s32 $0x0;
	v24 =	vld [tilespmem:$0x10680]  }
.LBB2_2:
0x59: {  	v25 =	vld [tilespmem:s17+$0xFFFFFC00]  }
0x5a: {  	v26 =	vld [tilespmem:s17+$0xFFFFFC10];
	_ =	sdelay $0x1  }
0x5b: {  	v27 =	vld [tilespmem:s17+$0xFFFFFC20];
	_ =	sdelay $0x1  }
0x5c: {  	v28 =	vld [tilespmem:s17+$0xFFFFFC30]  }
0x5d: {  	v25 =	vmul.f32 v25, v16;
	v26 =	vmul.f32 v26, v17  }
0x5e: {  	v29 =	vld [tilespmem:s17+$0xFFFFFC40]  }
0x5f: {  	v25 =	vadd.f32 v26, v25;
	v26 =	vmul.f32 v27, v18  }
0x60: {  	v27 =	vld [tilespmem:s17+$0xFFFFFC50]  }
0x61: {  	v25 =	vadd.f32 v26, v25;
	v26 =	vmul.f32 v28, v19  }
0x62: {  	v61 =	vld [tilespmem:s17+$0xFFFFFC60]  }
0x63: {  	v25 =	vadd.f32 v26, v25;
	v26 =	vmul.f32 v29, v20  }
0x64: {  	v62 =	vld [tilespmem:s17+$0xFFFFFC70]  }
0x65: {  	v25 =	vadd.f32 v26, v25;
	v26 =	vmul.f32 v27, v21;
	_ =	sdelay $0x1  }
0x66: {  	v25 =	vadd.f32 v26, v25;
	v26 =	vmul.f32 v61, v22;
	_ =	sdelay $0x1  }
0x67: {  	v25 =	vadd.f32 v26, v25;
	v26 =	vmul.f32 v62, v23;
	_ =	sdelay $0x1  }
0x68: {  	v25 =	vadd.f32 v26, v25;
	_ =	sdelay $0x1  }
0x69: {  	[tilespmem:$0x10700] =	vst v25  }
0x6a: {  	v25 =	vld [tilespmem:s17+$0xFFFFFC80]  }
0x6b: {  	v26 =	vld [tilespmem:s17+$0xFFFFFC90];
	_ =	sdelay $0x1  }
0x6c: {  	v27 =	vld [tilespmem:s17+$0xFFFFFCA0];
	_ =	sdelay $0x1  }
0x6d: {  	v63 =	vld [tilespmem:s17+$0xFFFFFCB0]  }
0x6e: {  	v25 =	vmul.f32 v25, v16;
	v26 =	vmul.f32 v26, v17  }
0x6f: {  	v32 =	vld [tilespmem:s17+$0xFFFFFCC0]  }
0x70: {  	v25 =	vadd.f32 v26, v25;
	v26 =	vmul.f32 v27, v18  }
0x71: {  	v27 =	vld [tilespmem:s17+$0xFFFFFCD0]  }
0x72: {  	v25 =	vadd.f32 v26, v25;
	v26 =	vmul.f32 v63, v19  }
0x73: {  	v33 =	vld [tilespmem:s17+$0xFFFFFCE0]  }
0x74: {  	v25 =	vadd.f32 v26, v25;
	v26 =	vmul.f32 v32, v20  }
0x75: {  	v34 =	vld [tilespmem:s17+$0xFFFFFCF0]  }
0x76: {  	v25 =	vadd.f32 v26, v25;
	v26 =	vmul.f32 v27, v21;
	_ =	sdelay $0x1  }
0x77: {  	v25 =	vadd.f32 v26, v25;
	v26 =	vmul.f32 v33, v22;
	_ =	sdelay $0x1  }
0x78: {  	v25 =	vadd.f32 v26, v25;
	v26 =	vmul.f32 v34, v23;
	_ =	sdelay $0x1  }
0x79: {  	v25 =	vadd.f32 v26, v25;
	_ =	sdelay $0x1  }
0x7a: {  	[tilespmem:$0x10710] =	vst v25  }
0x7b: {  	v25 =	vld [tilespmem:s17+$0xFFFFFD00]  }
0x7c: {  	v26 =	vld [tilespmem:s17+$0xFFFFFD10];
	_ =	sdelay $0x1  }
0x7d: {  	v27 =	vld [tilespmem:s17+$0xFFFFFD20];
	_ =	sdelay $0x1  }
0x7e: {  	v35 =	vld [tilespmem:s17+$0xFFFFFD30]  }
0x7f: {  	v25 =	vmul.f32 v25, v16;
	v26 =	vmul.f32 v26, v17  }
0x80: {  	v36 =	vld [tilespmem:s17+$0xFFFFFD40]  }
0x81: {  	v25 =	vadd.f32 v26, v25;
	v26 =	vmul.f32 v27, v18  }
0x82: {  	v27 =	vld [tilespmem:s17+$0xFFFFFD50]  }
0x83: {  	v25 =	vadd.f32 v26, v25;
	v26 =	vmul.f32 v35, v19  }
0x84: {  	v37 =	vld [tilespmem:s17+$0xFFFFFD60]  }
0x85: {  	v25 =	vadd.f32 v26, v25;
	v26 =	vmul.f32 v36, v20  }
0x86: {  	v38 =	vld [tilespmem:s17+$0xFFFFFD70]  }
0x87: {  	v25 =	vadd.f32 v26, v25;
	v26 =	vmul.f32 v27, v21;
	_ =	sdelay $0x1  }
0x88: {  	v25 =	vadd.f32 v26, v25;
	v26 =	vmul.f32 v37, v22;
	_ =	sdelay $0x1  }
0x89: {  	v25 =	vadd.f32 v26, v25;
	v26 =	vmul.f32 v38, v23;
	_ =	sdelay $0x1  }
0x8a: {  	v25 =	vadd.f32 v26, v25;
	_ =	sdelay $0x1  }
0x8b: {  	[tilespmem:$0x10720] =	vst v25  }
0x8c: {  	v25 =	vld [tilespmem:s17+$0xFFFFFD80]  }
0x8d: {  	v26 =	vld [tilespmem:s17+$0xFFFFFD90];
	_ =	sdelay $0x1  }
0x8e: {  	v27 =	vld [tilespmem:s17+$0xFFFFFDA0];
	_ =	sdelay $0x1  }
0x8f: {  	v39 =	vld [tilespmem:s17+$0xFFFFFDB0]  }
0x90: {  	v25 =	vmul.f32 v25, v16;
	v26 =	vmul.f32 v26, v17  }
0x91: {  	v40 =	vld [tilespmem:s17+$0xFFFFFDC0]  }
0x92: {  	v25 =	vadd.f32 v26, v25;
	v26 =	vmul.f32 v27, v18  }
0x93: {  	v27 =	vld [tilespmem:s17+$0xFFFFFDD0]  }
0x94: {  	v25 =	vadd.f32 v26, v25;
	v26 =	vmul.f32 v39, v19  }
0x95: {  	v41 =	vld [tilespmem:s17+$0xFFFFFDE0]  }
0x96: {  	v25 =	vadd.f32 v26, v25;
	v26 =	vmul.f32 v40, v20  }
0x97: {  	v42 =	vld [tilespmem:s17+$0xFFFFFDF0]  }
0x98: {  	v25 =	vadd.f32 v26, v25;
	v26 =	vmul.f32 v27, v21;
	_ =	sdelay $0x1  }
0x99: {  	v25 =	vadd.f32 v26, v25;
	v26 =	vmul.f32 v41, v22;
	_ =	sdelay $0x1  }
0x9a: {  	v25 =	vadd.f32 v26, v25;
	v26 =	vmul.f32 v42, v23;
	_ =	sdelay $0x1  }
0x9b: {  	v25 =	vadd.f32 v26, v25;
	_ =	sdelay $0x1  }
0x9c: {  	[tilespmem:$0x10730] =	vst v25  }
0x9d: {  	v25 =	vld [tilespmem:s17+$0xFFFFFE00]  }
0x9e: {  	v26 =	vld [tilespmem:s17+$0xFFFFFE10];
	_ =	sdelay $0x1  }
0x9f: {  	v27 =	vld [tilespmem:s17+$0xFFFFFE20];
	_ =	sdelay $0x1  }
0xa0: {  	v43 =	vld [tilespmem:s17+$0xFFFFFE30]  }
0xa1: {  	v25 =	vmul.f32 v25, v16;
	v26 =	vmul.f32 v26, v17  }
0xa2: {  	v44 =	vld [tilespmem:s17+$0xFFFFFE40]  }
0xa3: {  	v25 =	vadd.f32 v26, v25;
	v26 =	vmul.f32 v27, v18  }
0xa4: {  	v27 =	vld [tilespmem:s17+$0xFFFFFE50]  }
0xa5: {  	v25 =	vadd.f32 v26, v25;
	v26 =	vmul.f32 v43, v19  }
0xa6: {  	v45 =	vld [tilespmem:s17+$0xFFFFFE60]  }
0xa7: {  	v25 =	vadd.f32 v26, v25;
	v26 =	vmul.f32 v44, v20  }
0xa8: {  	v46 =	vld [tilespmem:s17+$0xFFFFFE70]  }
0xa9: {  	v25 =	vadd.f32 v26, v25;
	v26 =	vmul.f32 v27, v21;
	_ =	sdelay $0x1  }
0xaa: {  	v25 =	vadd.f32 v26, v25;
	v26 =	vmul.f32 v45, v22;
	_ =	sdelay $0x1  }
0xab: {  	v25 =	vadd.f32 v26, v25;
	v26 =	vmul.f32 v46, v23;
	_ =	sdelay $0x1  }
0xac: {  	v25 =	vadd.f32 v26, v25;
	_ =	sdelay $0x1  }
0xad: {  	[tilespmem:$0x10740] =	vst v25  }
0xae: {  	v25 =	vld [tilespmem:s17+$0xFFFFFE80]  }
0xaf: {  	v26 =	vld [tilespmem:s17+$0xFFFFFE90];
	_ =	sdelay $0x1  }
0xb0: {  	v27 =	vld [tilespmem:s17+$0xFFFFFEA0];
	_ =	sdelay $0x1  }
0xb1: {  	v47 =	vld [tilespmem:s17+$0xFFFFFEB0]  }
0xb2: {  	v25 =	vmul.f32 v25, v16;
	v26 =	vmul.f32 v26, v17  }
0xb3: {  	v48 =	vld [tilespmem:s17+$0xFFFFFEC0]  }
0xb4: {  	v25 =	vadd.f32 v26, v25;
	v26 =	vmul.f32 v27, v18  }
0xb5: {  	v27 =	vld [tilespmem:s17+$0xFFFFFED0]  }
0xb6: {  	v25 =	vadd.f32 v26, v25;
	v26 =	vmul.f32 v47, v19  }
0xb7: {  	v49 =	vld [tilespmem:s17+$0xFFFFFEE0]  }
0xb8: {  	v25 =	vadd.f32 v26, v25;
	v26 =	vmul.f32 v48, v20  }
0xb9: {  	v50 =	vld [tilespmem:s17+$0xFFFFFEF0]  }
0xba: {  	v25 =	vadd.f32 v26, v25;
	v26 =	vmul.f32 v27, v21;
	_ =	sdelay $0x1  }
0xbb: {  	v25 =	vadd.f32 v26, v25;
	v26 =	vmul.f32 v49, v22;
	_ =	sdelay $0x1  }
0xbc: {  	v25 =	vadd.f32 v26, v25;
	v26 =	vmul.f32 v50, v23;
	_ =	sdelay $0x1  }
0xbd: {  	v25 =	vadd.f32 v26, v25;
	_ =	sdelay $0x1  }
0xbe: {  	[tilespmem:$0x10750] =	vst v25  }
0xbf: {  	v25 =	vld [tilespmem:s17+$0xFFFFFF00]  }
0xc0: {  	v26 =	vld [tilespmem:s17+$0xFFFFFF10];
	_ =	sdelay $0x1  }
0xc1: {  	v27 =	vld [tilespmem:s17+$0xFFFFFF20];
	_ =	sdelay $0x1  }
0xc2: {  	v51 =	vld [tilespmem:s17+$0xFFFFFF30]  }
0xc3: {  	v25 =	vmul.f32 v25, v16;
	v26 =	vmul.f32 v26, v17  }
0xc4: {  	v52 =	vld [tilespmem:s17+$0xFFFFFF40]  }
0xc5: {  	v25 =	vadd.f32 v26, v25;
	v26 =	vmul.f32 v27, v18  }
0xc6: {  	v27 =	vld [tilespmem:s17+$0xFFFFFF50]  }
0xc7: {  	v25 =	vadd.f32 v26, v25;
	v26 =	vmul.f32 v51, v19  }
0xc8: {  	v53 =	vld [tilespmem:s17+$0xFFFFFF60]  }
0xc9: {  	v25 =	vadd.f32 v26, v25;
	v26 =	vmul.f32 v52, v20  }
0xca: {  	v54 =	vld [tilespmem:s17+$0xFFFFFF70]  }
0xcb: {  	v25 =	vadd.f32 v26, v25;
	v26 =	vmul.f32 v27, v21;
	_ =	sdelay $0x1  }
0xcc: {  	v25 =	vadd.f32 v26, v25;
	v26 =	vmul.f32 v53, v22;
	_ =	sdelay $0x1  }
0xcd: {  	v25 =	vadd.f32 v26, v25;
	v26 =	vmul.f32 v54, v23;
	_ =	sdelay $0x1  }
0xce: {  	v25 =	vadd.f32 v26, v25;
	_ =	sdelay $0x1  }
0xcf: {  	[tilespmem:$0x10760] =	vst v25  }
0xd0: {  	v25 =	vld [tilespmem:s17+$0xFFFFFF80]  }
0xd1: {  	v26 =	vld [tilespmem:s17+$0xFFFFFF90];
	_ =	sdelay $0x1  }
0xd2: {  	v27 =	vld [tilespmem:s17+$0xFFFFFFA0];
	_ =	sdelay $0x1  }
0xd3: {  	v55 =	vld [tilespmem:s17+$0xFFFFFFB0]  }
0xd4: {  	v25 =	vmul.f32 v25, v16;
	v26 =	vmul.f32 v26, v17  }
0xd5: {  	v56 =	vld [tilespmem:s17+$0xFFFFFFC0]  }
0xd6: {  	v25 =	vadd.f32 v26, v25;
	v26 =	vmul.f32 v27, v18  }
0xd7: {  	v27 =	vld [tilespmem:s17+$0xFFFFFFD0]  }
0xd8: {  	v25 =	vadd.f32 v26, v25;
	v26 =	vmul.f32 v55, v19  }
0xd9: {  	v57 =	vld [tilespmem:s17+$0xFFFFFFE0]  }
0xda: {  	v25 =	vadd.f32 v26, v25;
	v26 =	vmul.f32 v56, v20  }
0xdb: {  	v58 =	vld [tilespmem:s17+$0xFFFFFFF0]  }
0xdc: {  	v25 =	vadd.f32 v26, v25;
	v26 =	vmul.f32 v27, v21;
	_ =	sdelay $0x1  }
0xdd: {  	v25 =	vadd.f32 v26, v25;
	v26 =	vmul.f32 v57, v22;
	_ =	sdelay $0x1  }
0xde: {  	v25 =	vadd.f32 v26, v25;
	v26 =	vmul.f32 v58, v23;
	_ =	sdelay $0x1  }
0xdf: {  	v25 =	vadd.f32 v26, v25;
	_ =	sdelay $0x1  }
0xe0: {  	[tilespmem:$0x10770] =	vst v25  }
0xe1: {  	v25 =	vld [tilespmem:s17+$0x0]  }
0xe2: {  	v26 =	vld [tilespmem:s17+$0x10];
	_ =	sdelay $0x1  }
0xe3: {  	v27 =	vld [tilespmem:s17+$0x20];
	_ =	sdelay $0x1  }
0xe4: {  	v59 =	vld [tilespmem:s17+$0x30]  }
0xe5: {  	v25 =	vmul.f32 v25, v16;
	v26 =	vmul.f32 v26, v17  }
0xe6: {  	v60 =	vld [tilespmem:s17+$0x40]  }
0xe7: {  	v25 =	vadd.f32 v26, v25;
	v26 =	vmul.f32 v27, v18  }
0xe8: {  	v27 =	vld [tilespmem:s17+$0x50]  }
0xe9: {  	v25 =	vadd.f32 v26, v25;
	v26 =	vmul.f32 v59, v19  }
0xea: {  	v61 =	vld [tilespmem:s17+$0x60]  }
0xeb: {  	v25 =	vadd.f32 v26, v25;
	v26 =	vmul.f32 v60, v20  }
0xec: {  	v62 =	vld [tilespmem:s17+$0x70]  }
0xed: {  	v25 =	vadd.f32 v26, v25;
	v26 =	vmul.f32 v27, v21;
	_ =	sdelay $0x1  }
0xee: {  	v25 =	vadd.f32 v26, v25;
	v26 =	vmul.f32 v61, v22;
	_ =	sdelay $0x1  }
0xef: {  	v25 =	vadd.f32 v26, v25;
	v26 =	vmul.f32 v62, v23;
	_ =	sdelay $0x1  }
0xf0: {  	v25 =	vadd.f32 v26, v25;
	_ =	sdelay $0x1  }
0xf1: {  	[tilespmem:$0x10780] =	vst v25  }
0xf2: {  	v25 =	vld [tilespmem:s17+$0x80]  }
0xf3: {  	v26 =	vld [tilespmem:s17+$0x90];
	_ =	sdelay $0x1  }
0xf4: {  	v27 =	vld [tilespmem:s17+$0xA0];
	_ =	sdelay $0x1  }
0xf5: {  	v63 =	vld [tilespmem:s17+$0xB0]  }
0xf6: {  	v25 =	vmul.f32 v25, v16;
	v26 =	vmul.f32 v26, v17  }
0xf7: {  	v32 =	vld [tilespmem:s17+$0xC0]  }
0xf8: {  	v25 =	vadd.f32 v26, v25;
	v26 =	vmul.f32 v27, v18  }
0xf9: {  	v27 =	vld [tilespmem:s17+$0xD0]  }
0xfa: {  	v25 =	vadd.f32 v26, v25;
	v26 =	vmul.f32 v63, v19  }
0xfb: {  	v33 =	vld [tilespmem:s17+$0xE0]  }
0xfc: {  	v25 =	vadd.f32 v26, v25;
	v26 =	vmul.f32 v32, v20  }
0xfd: {  	v34 =	vld [tilespmem:s17+$0xF0]  }
0xfe: {  	v25 =	vadd.f32 v26, v25;
	v26 =	vmul.f32 v27, v21;
	_ =	sdelay $0x1  }
0xff: {  	v25 =	vadd.f32 v26, v25;
	v26 =	vmul.f32 v33, v22;
	_ =	sdelay $0x1  }
0x100: {  	v25 =	vadd.f32 v26, v25;
	v26 =	vmul.f32 v34, v23;
	_ =	sdelay $0x1  }
0x101: {  	v25 =	vadd.f32 v26, v25;
	_ =	sdelay $0x1  }
0x102: {  	[tilespmem:$0x10790] =	vst v25  }
0x103: {  	v25 =	vld [tilespmem:s17+$0x100]  }
0x104: {  	v26 =	vld [tilespmem:s17+$0x110];
	_ =	sdelay $0x1  }
0x105: {  	v27 =	vld [tilespmem:s17+$0x120];
	_ =	sdelay $0x1  }
0x106: {  	v35 =	vld [tilespmem:s17+$0x130]  }
0x107: {  	v25 =	vmul.f32 v25, v16;
	v26 =	vmul.f32 v26, v17  }
0x108: {  	v36 =	vld [tilespmem:s17+$0x140]  }
0x109: {  	v25 =	vadd.f32 v26, v25;
	v26 =	vmul.f32 v27, v18  }
0x10a: {  	v27 =	vld [tilespmem:s17+$0x150]  }
0x10b: {  	v25 =	vadd.f32 v26, v25;
	v26 =	vmul.f32 v35, v19  }
0x10c: {  	v37 =	vld [tilespmem:s17+$0x160]  }
0x10d: {  	v25 =	vadd.f32 v26, v25;
	v26 =	vmul.f32 v36, v20  }
0x10e: {  	v38 =	vld [tilespmem:s17+$0x170]  }
0x10f: {  	v25 =	vadd.f32 v26, v25;
	v26 =	vmul.f32 v27, v21;
	_ =	sdelay $0x1  }
0x110: {  	v25 =	vadd.f32 v26, v25;
	v26 =	vmul.f32 v37, v22;
	_ =	sdelay $0x1  }
0x111: {  	v25 =	vadd.f32 v26, v25;
	v26 =	vmul.f32 v38, v23;
	_ =	sdelay $0x1  }
0x112: {  	v25 =	vadd.f32 v26, v25;
	_ =	sdelay $0x1  }
0x113: {  	[tilespmem:$0x107A0] =	vst v25  }
0x114: {  	v25 =	vld [tilespmem:s17+$0x180]  }
0x115: {  	v26 =	vld [tilespmem:s17+$0x190];
	_ =	sdelay $0x1  }
0x116: {  	v27 =	vld [tilespmem:s17+$0x1A0];
	_ =	sdelay $0x1  }
0x117: {  	v39 =	vld [tilespmem:s17+$0x1B0]  }
0x118: {  	v25 =	vmul.f32 v25, v16;
	v26 =	vmul.f32 v26, v17  }
0x119: {  	v40 =	vld [tilespmem:s17+$0x1C0]  }
0x11a: {  	v25 =	vadd.f32 v26, v25;
	v26 =	vmul.f32 v27, v18  }
0x11b: {  	v27 =	vld [tilespmem:s17+$0x1D0]  }
0x11c: {  	v25 =	vadd.f32 v26, v25;
	v26 =	vmul.f32 v39, v19  }
0x11d: {  	v41 =	vld [tilespmem:s17+$0x1E0]  }
0x11e: {  	v25 =	vadd.f32 v26, v25;
	v26 =	vmul.f32 v40, v20  }
0x11f: {  	v42 =	vld [tilespmem:s17+$0x1F0]  }
0x120: {  	v25 =	vadd.f32 v26, v25;
	v26 =	vmul.f32 v27, v21;
	_ =	sdelay $0x1  }
0x121: {  	v25 =	vadd.f32 v26, v25;
	v26 =	vmul.f32 v41, v22;
	_ =	sdelay $0x1  }
0x122: {  	v25 =	vadd.f32 v26, v25;
	v26 =	vmul.f32 v42, v23;
	_ =	sdelay $0x1  }
0x123: {  	v25 =	vadd.f32 v26, v25;
	_ =	sdelay $0x1  }
0x124: {  	[tilespmem:$0x107B0] =	vst v25  }
0x125: {  	v25 =	vld [tilespmem:s17+$0x200]  }
0x126: {  	v26 =	vld [tilespmem:s17+$0x210];
	_ =	sdelay $0x1  }
0x127: {  	v27 =	vld [tilespmem:s17+$0x220];
	_ =	sdelay $0x1  }
0x128: {  	v43 =	vld [tilespmem:s17+$0x230]  }
0x129: {  	v25 =	vmul.f32 v25, v16;
	v26 =	vmul.f32 v26, v17  }
0x12a: {  	v44 =	vld [tilespmem:s17+$0x240]  }
0x12b: {  	v25 =	vadd.f32 v26, v25;
	v26 =	vmul.f32 v27, v18  }
0x12c: {  	v27 =	vld [tilespmem:s17+$0x250]  }
0x12d: {  	v25 =	vadd.f32 v26, v25;
	v26 =	vmul.f32 v43, v19  }
0x12e: {  	v45 =	vld [tilespmem:s17+$0x260]  }
0x12f: {  	v25 =	vadd.f32 v26, v25;
	v26 =	vmul.f32 v44, v20  }
0x130: {  	v46 =	vld [tilespmem:s17+$0x270]  }
0x131: {  	v25 =	vadd.f32 v26, v25;
	v26 =	vmul.f32 v27, v21;
	_ =	sdelay $0x1  }
0x132: {  	v25 =	vadd.f32 v26, v25;
	v26 =	vmul.f32 v45, v22;
	_ =	sdelay $0x1  }
0x133: {  	v25 =	vadd.f32 v26, v25;
	v26 =	vmul.f32 v46, v23;
	_ =	sdelay $0x1  }
0x134: {  	v25 =	vadd.f32 v26, v25;
	_ =	sdelay $0x1  }
0x135: {  	[tilespmem:$0x107C0] =	vst v25  }
0x136: {  	v25 =	vld [tilespmem:s17+$0x280]  }
0x137: {  	v26 =	vld [tilespmem:s17+$0x290];
	_ =	sdelay $0x1  }
0x138: {  	v27 =	vld [tilespmem:s17+$0x2A0];
	_ =	sdelay $0x1  }
0x139: {  	v47 =	vld [tilespmem:s17+$0x2B0]  }
0x13a: {  	v25 =	vmul.f32 v25, v16;
	v26 =	vmul.f32 v26, v17  }
0x13b: {  	v48 =	vld [tilespmem:s17+$0x2C0]  }
0x13c: {  	v25 =	vadd.f32 v26, v25;
	v26 =	vmul.f32 v27, v18  }
0x13d: {  	v27 =	vld [tilespmem:s17+$0x2D0]  }
0x13e: {  	v25 =	vadd.f32 v26, v25;
	v26 =	vmul.f32 v47, v19  }
0x13f: {  	v49 =	vld [tilespmem:s17+$0x2E0]  }
0x140: {  	v25 =	vadd.f32 v26, v25;
	v26 =	vmul.f32 v48, v20  }
0x141: {  	v50 =	vld [tilespmem:s17+$0x2F0]  }
0x142: {  	v25 =	vadd.f32 v26, v25;
	v26 =	vmul.f32 v27, v21;
	_ =	sdelay $0x1  }
0x143: {  	v25 =	vadd.f32 v26, v25;
	v26 =	vmul.f32 v49, v22;
	_ =	sdelay $0x1  }
0x144: {  	v25 =	vadd.f32 v26, v25;
	v26 =	vmul.f32 v50, v23;
	_ =	sdelay $0x1  }
0x145: {  	v25 =	vadd.f32 v26, v25;
	_ =	sdelay $0x1  }
0x146: {  	[tilespmem:$0x107D0] =	vst v25  }
0x147: {  	v25 =	vld [tilespmem:s17+$0x300]  }
0x148: {  	v26 =	vld [tilespmem:s17+$0x310];
	_ =	sdelay $0x1  }
0x149: {  	v27 =	vld [tilespmem:s17+$0x320];
	_ =	sdelay $0x1  }
0x14a: {  	v51 =	vld [tilespmem:s17+$0x330]  }
0x14b: {  	v25 =	vmul.f32 v25, v16;
	v26 =	vmul.f32 v26, v17  }
0x14c: {  	v52 =	vld [tilespmem:s17+$0x340]  }
0x14d: {  	v25 =	vadd.f32 v26, v25;
	v26 =	vmul.f32 v27, v18  }
0x14e: {  	v27 =	vld [tilespmem:s17+$0x350]  }
0x14f: {  	v25 =	vadd.f32 v26, v25;
	v26 =	vmul.f32 v51, v19  }
0x150: {  	v53 =	vld [tilespmem:s17+$0x360]  }
0x151: {  	v25 =	vadd.f32 v26, v25;
	v26 =	vmul.f32 v52, v20  }
0x152: {  	v54 =	vld [tilespmem:s17+$0x370]  }
0x153: {  	v25 =	vadd.f32 v26, v25;
	v26 =	vmul.f32 v27, v21;
	_ =	sdelay $0x1  }
0x154: {  	v25 =	vadd.f32 v26, v25;
	v26 =	vmul.f32 v53, v22;
	_ =	sdelay $0x1  }
0x155: {  	v25 =	vadd.f32 v26, v25;
	v26 =	vmul.f32 v54, v23;
	_ =	sdelay $0x1  }
0x156: {  	v25 =	vadd.f32 v26, v25;
	_ =	sdelay $0x1  }
0x157: {  	[tilespmem:$0x107E0] =	vst v25  }
0x158: {  	v25 =	vld [tilespmem:s17+$0x380]  }
0x159: {  	v26 =	vld [tilespmem:s17+$0x390];
	_ =	sdelay $0x1  }
0x15a: {  	v27 =	vld [tilespmem:s17+$0x3A0];
	_ =	sdelay $0x1  }
0x15b: {  	v55 =	vld [tilespmem:s17+$0x3B0]  }
0x15c: {  	v25 =	vmul.f32 v25, v16;
	v26 =	vmul.f32 v26, v17  }
0x15d: {  	v56 =	vld [tilespmem:s17+$0x3C0]  }
0x15e: {  	v25 =	vadd.f32 v26, v25;
	v26 =	vmul.f32 v27, v18  }
0x15f: {  	v27 =	vld [tilespmem:s17+$0x3D0]  }
0x160: {  	v25 =	vadd.f32 v26, v25;
	v26 =	vmul.f32 v55, v19  }
0x161: {  	v57 =	vld [tilespmem:s17+$0x3E0]  }
0x162: {  	v25 =	vadd.f32 v26, v25;
	v26 =	vmul.f32 v56, v20  }
0x163: {  	v58 =	vld [tilespmem:s17+$0x3F0]  }
0x164: {  	v25 =	vadd.f32 v26, v25;
	v26 =	vmul.f32 v27, v21;
	_ =	sdelay $0x1  }
0x165: {  	v25 =	vadd.f32 v26, v25;
	v26 =	vmul.f32 v57, v22;
	_ =	sdelay $0x1  }
0x166: {  	v25 =	vadd.f32 v26, v25;
	v26 =	vmul.f32 v58, v23;
	_ =	sdelay $0x1  }
0x167: {  	v25 =	vadd.f32 v26, v25;
	_ =	sdelay $0x1  }
0x168: {  	[tilespmem:$0x107F0] =	vst v25  }
0x169: {  	v25 =	vld.idx.msk [tilespmem:v0+s29+$0x0], $0xffff  }
0x16a: {  	v26 =	vld.idx.msk [tilespmem:v1+s29+$0x0], $0xffff;
	_ =	sdelay $0x1  }
0x16b: {  	v27 =	vld.idx.msk [tilespmem:v2+s29+$0x0], $0xffff;
	_ =	sdelay $0x1  }
0x16c: {  	v59 =	vld.idx.msk [tilespmem:v3+s29+$0x0], $0xffff  }
0x16d: {  	v25 =	vadd.f32 v26, v25  }
0x16e: {  	v26 =	vld.idx.msk [tilespmem:v4+s29+$0x0], $0xffff  }
0x16f: {  	v25 =	vadd.f32 v27, v25  }
0x170: {  	v27 =	vld.idx.msk [tilespmem:v5+s29+$0x0], $0xffff  }
0x171: {  	v25 =	vadd.f32 v59, v25  }
0x172: {  	v60 =	vld.idx.msk [tilespmem:v6+s29+$0x0], $0xffff  }
0x173: {  	v25 =	vadd.f32 v26, v25  }
0x174: {  	v26 =	vld.idx.msk [tilespmem:v7+s29+$0x0], $0xffff  }
0x175: {  	v25 =	vadd.f32 v27, v25  }
0x176: {  	v27 =	vld.idx.msk [tilespmem:v8+s29+$0x0], $0xffff  }
0x177: {  	v25 =	vadd.f32 v60, v25  }
0x178: {  	v61 =	vld.idx.msk [tilespmem:v9+s29+$0x0], $0xffff  }
0x179: {  	v25 =	vadd.f32 v26, v25  }
0x17a: {  	v26 =	vld.idx.msk [tilespmem:v10+s29+$0x0], $0xffff  }
0x17b: {  	v25 =	vadd.f32 v27, v25  }
0x17c: {  	v27 =	vld.idx.msk [tilespmem:v11+s29+$0x0], $0xffff  }
0x17d: {  	v25 =	vadd.f32 v61, v25  }
0x17e: {  	v62 =	vld.idx.msk [tilespmem:v12+s29+$0x0], $0xffff  }
0x17f: {  	v25 =	vadd.f32 v26, v25  }
0x180: {  	v26 =	vld.idx.msk [tilespmem:v13+s29+$0x0], $0xffff  }
0x181: {  	v25 =	vadd.f32 v27, v25  }
0x182: {  	v27 =	vld.idx.msk [tilespmem:v14+s29+$0x0], $0xffff  }
0x183: {  	v25 =	vadd.f32 v62, v25  }
0x184: {  	v63 =	vld.idx.msk [tilespmem:v15+s29+$0x0], $0xffff  }
0x185: {  	v25 =	vadd.f32 v26, v25;
	_ =	sdelay $0x1  }
0x186: {  	v25 =	vadd.f32 v27, v25;
	_ =	sdelay $0x1  }
0x187: {  	v25 =	vadd.f32 v63, v25;
	_ =	sdelay $0x1  }
0x188: {  	v25 =	vadd.f32 v25, v24;
	_ =	sdelay $0x1  }
0x189: {  	v25 =	vsub.f32 $0.0e+00, v25;
	_ =	sdelay $0x1  }
0x18a: {  	v25 =	vmul.f32 $1.442695020e+00, v25;
	_ =	sdelay $0x1  }
0x18b: {  	(erf) = vpow2.f32 v25;
	_ =	sdelay $0x8  }
0x18c: {  	v25 =	vpop (erf)  }
0x18d: {  	v25 =	vadd.f32 $1.000000000e+00, v25;
	_ =	sdelay $0x1  }
0x18e: {  	(erf) = vrcp.f32 v25;
	_ =	sdelay $0x1  }
0x18f: {  	s19 =	sshra.s32 s18, $0x2  }
0x190: {  	v25 =	vld [tilespmem:s19+$0x10200];
	_ =	sdelay $0x4  }
0x191: {  	v26 =	vsub.f32 $1.000000000e+00, v25  }
0x192: {  	p0 =	sne.s32 s18, $0x7C0;
	v27 =	vpop (erf)  }
.Ltmp0:
0x193: {  	v26 =	vmin.f32 v27, v26;
	(pc) =	sbr.rel @p0 .LBB2_2-.Ltmp0, $4  }
0x194: {  	v26 =	vadd.f32 v26, v25  }
0x195: {  	vm0 =	vgt.f32 v25, $0.0e+00  }
0x196: {  	v25 =	vsel vm0, v27, v26  }
0x197: {  	s18 =	sadd.s32 $0x40, s18;
	s17 =	sadd.s32 $0x800, s17;
	[tilespmem:s19+$0x10400] =	vst v25  }
0x198: {  	[hbm4b:s8+s14] =	stream.indirect.scatter [tilespmem:s30], [sflag:$0x2], $0x1, s4, s14, $0xb8;
	[tilespmem:$0x10800] =	vst v63  }
0x199: {  	_ =	swait.ge [sflag:s13], $0x80  }
0x19a: {  	[sflag:s13] =	ssyncset.done $0x0  }
0x19b: {  	[sflag:s13] =	ssyncadd.s32 $0xFFFFFF80  }
0x19c: {  	[hbm4b:s8+s14] =	stream.indirect.scatter [tilespmem:s31], [sflag:$0x2], $0x1, s14, s14, $0xb8;
	[tilespmem:$0x10800] =	vst v63  }
0x19d: {  	_ =	swait.ge [sflag:s13], $0x80  }
0x19e: {  	[sflag:s13] =	ssyncset.done $0x0  }
0x19f: {  	[sflag:s13] =	ssyncadd.s32 $0xFFFFFF80  }
0x1a0: {  	[hbm4b:s8+s14] =	stream.indirect.scatter [tilespmem:s0], [sflag:$0x2], $0x1, s15, s14, $0xb8;
	[tilespmem:$0x10800] =	vst v63  }
0x1a1: {  	s2 =	sadd.s32 $0x1, s2;
	_ =	swait.ge [sflag:s13], $0x80  }
0x1a2: {  	p0 =	sne.s32 s2, s12;
	[sflag:s13] =	ssyncset.done $0x0  }
.Ltmp1:
0x1a3: {  	[sflag:s13] =	ssyncadd.s32 $0xFFFFFF80;
	(pc) =	sbr.rel @p0 .LBB2_1-.Ltmp1, $4  }
0x1a4: {  	[hbm4b:s8+s14] =	stream.indirect.scatter [tilespmem:s3], [sflag:$0x2], $0x1, s16, s14, $0xb8;
	[tilespmem:$0x10800] =	vst v63  }
0x1a5: {  	_ =	swait.ge [sflag:s13], $0x80  }
0x1a6: {  	[sflag:s13] =	ssyncset.done $0x0  }
0x1a7: {  	[sflag:s13] =	ssyncadd.s32 $0xFFFFFF80  }
0x1a8: {  	_ =	sfence.sel $0x180000  }
0x1a9: {  	[bflag:$0x0] =	sbarrier.arrive $0xFFFF  }
0x1aa: {  	_ =	strace $0x90000047  }
0x1ab: {  	s0 =	stileid.u32;
	[bflag:$0x2] =	sbarrier.arrive $0xFFFF  }
0x1ac: {  	p0 =	sne.s32 s0, $0x0;
	s0 =	rddreg [dreg:$0x4]  }
0x1ad: {  	s0 =	sadd.s32 @!p0 $0x100000, s0  }
0x1ae: {  	[sflag:s0] =	ssyncadd.tile.s32 @!p0 $0x1;
	_ =	shalt  }
.Lfunc_end2:
_tile_overlayer_lowered:
.L_overlay_start_2:
0x1af: {  	(tag) =	ssettag $0x2  }
0x1b0: {  	s0 =	rddreg [dreg:$0x0];
	s2 =	stileid.u32  }
0x1b1: {  	s1 =	rddreg [dreg:$0x1];
	p0 =	sne.s32 s2, $0x0  }
0x1b2: {  	s3 =	rddreg [dreg:$0x2];
	[bflag:$0x3] =	sbarrier.arrive $0xFFFF;
	s2 =	simm.s32 @!p0 $0x1C02  }
0x1b3: {  	[timem:s3], [sflag:s2] =	dma.local @!p0 [hbm:s0], s1  }
0x1b4: {  	s0 =	simm.s32 @!p0 $0x2  }
0x1b5: {  	_ =	swait.ge @!p0 [sflag:s0], s1  }
0x1b6: {  	s1 =	ssub.s32 @!p0 $0x0, s1;
	[sflag:s0] =	ssyncset.done @!p0 $0x0  }
0x1b7: {  	[sflag:s0] =	ssyncadd.s32 @!p0 s1  }
0x1b8: {  	[bflag:$0x3] =	sbarrier.arrive $0xFFFF  }
0x1b9: {  	_ =	shalt  }

</sc_bundles>
